<compile_context>
chip_gen: v7x
topology: tpu7x:2x2x1
jax: 0.10.2.dev20260603
libtpu: 0.0.44.dev20260713+nightly
codegen_flags: <defaults>
</compile_context>

<pallas_src>
import functools
import numpy as np
import jax
from jax import lax
import jax.numpy as jnp
from jax.experimental import pallas as pl
from jax.experimental.pallas import tpu as pltpu
from jax.experimental.pallas import tpu_sc as plsc

HID_ = 128
M_, N_, B_ = 28, 28, 32
T_ = M_ + N_ - 1
Q_ = T_ + 2
ROWS_ = M_ * B_

_SC_NBUF = 3


def _sc_gather(table, idx, csize):
    n, d = idx.shape[0], table.shape[1]
    info = plsc.get_sparse_core_info()
    nw = info.num_cores * info.num_subcores
    npw = n // nw
    assert n % nw == 0 and npw % csize == 0 and csize % 8 == 0 and csize <= 128
    nchunk = npw // csize
    nbuf = min(_SC_NBUF, nchunk)
    mesh = plsc.VectorSubcoreMesh(core_axis_name="c", subcore_axis_name="s")

    @functools.partial(
        pl.kernel, mesh=mesh,
        out_type=jax.ShapeDtypeStruct((n, d), table.dtype),
        scratch_types=(
            [pltpu.VMEM((npw,), jnp.int32)]
            + [pltpu.VMEM((csize, d), table.dtype) for _ in range(nbuf)]
            + [pltpu.SemaphoreType.DMA for _ in range(2 * nbuf)]
        ),
    )
    def k(table_hbm, idx_hbm, out_hbm, idx_v, *bufs_sems):
        bufs = bufs_sems[:nbuf]
        gsem = bufs_sems[nbuf:2 * nbuf]
        wsem = bufs_sems[2 * nbuf:]
        wid = lax.axis_index("s") * info.num_cores + lax.axis_index("c")
        base = wid * npw
        pltpu.sync_copy(idx_hbm.at[pl.ds(base, npw)], idx_v)
        gh, wh = {}, {}
        for c in range(nchunk):
            bi = c % nbuf
            if c >= nbuf:
                wh[c - nbuf].wait()
            gh[c] = pltpu.make_async_copy(
                table_hbm.at[idx_v.at[pl.ds(c * csize, csize)]],
                bufs[bi], gsem[bi])
            gh[c].start()
            if c >= 1:
                gh[c - 1].wait()
                wh[c - 1] = pltpu.make_async_copy(
                    bufs[(c - 1) % nbuf],
                    out_hbm.at[pl.ds(base + (c - 1) * csize, csize)],
                    wsem[(c - 1) % nbuf])
                wh[c - 1].start()
        gh[nchunk - 1].wait()
        wh[nchunk - 1] = pltpu.make_async_copy(
            bufs[(nchunk - 1) % nbuf],
            out_hbm.at[pl.ds(base + (nchunk - 1) * csize, csize)],
            wsem[(nchunk - 1) % nbuf])
        wh[nchunk - 1].start()
        for c in range(max(0, nchunk - nbuf), nchunk):
            wh[c].wait()

    return k(table, idx)




def _recurrence_kernel(e0_ref, e1_ref, e2_ref, wx_ref, wl_ref, wu_ref,
                       b_ref, lns_ref, lnb_ref, hinit_ref, hout_ref, H, C):
    t = pl.program_id(0)
    h = HID_

    @pl.when(t == 0)
    def _init():
        H[...] = jnp.broadcast_to(hinit_ref[...], (M_ + 1, B_, h))
        C[...] = jnp.zeros((M_ + 1, B_, h), jnp.float32)

    e0 = e0_ref[0]
    e1 = e1_ref[0]
    e2 = e2_ref[0]
    x1 = e1[1:].reshape(ROWS_, h)
    x2 = e0[:M_].reshape(ROWS_, h)
    x3 = e1[:M_].reshape(ROWS_, h)
    x4 = e2[:M_].reshape(ROWS_, h)
    h_left = H[1:].reshape(ROWS_, h)
    h_up = H[:M_].reshape(ROWS_, h)
    c_left = C[1:].reshape(ROWS_, h)
    c_up = C[:M_].reshape(ROWS_, h)

    f32 = jnp.float32
    g = (jnp.dot(x1, wx_ref[0:h], preferred_element_type=f32)
         + jnp.dot(x2, wx_ref[h:2 * h], preferred_element_type=f32)
         + jnp.dot(x3, wx_ref[2 * h:3 * h], preferred_element_type=f32)
         + jnp.dot(x4, wx_ref[3 * h:4 * h], preferred_element_type=f32)
         + jnp.dot(h_left, wl_ref[...], preferred_element_type=f32)
         + jnp.dot(h_up, wu_ref[...], preferred_element_type=f32)
         + b_ref[...])
    fc = jax.nn.sigmoid(g[:, 0:h])
    fr = jax.nn.sigmoid(g[:, h:2 * h])
    ig = jax.nn.sigmoid(g[:, 2 * h:3 * h])
    og = jax.nn.sigmoid(g[:, 3 * h:4 * h])
    cg = jnp.tanh(g[:, 4 * h:5 * h])

    c_new = fc * c_left + fr * c_up + ig * cg
    mu = jnp.mean(c_new, axis=-1, keepdims=True)
    var = jnp.mean((c_new - mu) * (c_new - mu), axis=-1, keepdims=True)
    zn = (c_new - mu) * jax.lax.rsqrt(var + 1e-6) * lns_ref[...] + lnb_ref[...]
    s = og * jnp.tanh(zn)

    s3 = s.reshape(M_, B_, h)
    c3 = c_new.reshape(M_, B_, h)
    ii = jax.lax.broadcasted_iota(jnp.int32, (M_, 1, 1), 0)
    mask = (ii <= t) & (ii >= t - (N_ - 1))
    H[1:] = jnp.where(mask, s3, H[1:])
    C[1:] = jnp.where(mask, c3, C[1:])
    hout_ref[0] = s3


def _head_kernel(h_ref, w_ref, b_ref, o_ref):
    o_ref[...] = (jnp.dot(h_ref[...], w_ref[...],
                          preferred_element_type=jnp.float32) + b_ref[...])


def _undiag_index():
    ii = np.arange(M_)[:, None, None]
    jj = np.arange(N_)[None, :, None]
    bb = np.arange(B_)[None, None, :]
    return (((ii + jj) * M_ + ii) * B_ + bb).reshape(-1).astype(np.int32)


def kernel(x_bmn, embed, gate_w, gate_b, ln_scale, ln_bias, h_init,
           head_w, head_b):
    b, m, n = x_bmn.shape
    h = h_init.shape[1]

    x_p = jnp.pad(x_bmn, ((0, 0), (1, 0), (1, 1)))
    q_i = np.arange(Q_)[:, None]
    a_i = np.arange(m + 1)[None, :]
    c_i = np.clip(q_i - a_i, 0, n + 1)
    tok = jnp.transpose(x_p[:, a_i, c_i], (1, 2, 0))
    Ed = jnp.take(embed.astype(jnp.bfloat16), tok, axis=0)

    wx = gate_w[:4 * h].astype(jnp.bfloat16)
    wl = gate_w[4 * h:5 * h]
    wu = gate_w[5 * h:]
    b2 = gate_b.reshape(1, 5 * h)
    lns2 = ln_scale.reshape(1, h)
    lnb2 = ln_bias.reshape(1, h)

    ed_spec = lambda off: pl.BlockSpec(
        (1, m + 1, B_, h), lambda t, o=off: (t + o, 0, 0, 0))
    h_diag = pl.pallas_call(
        _recurrence_kernel,
        grid=(T_,),
        in_specs=[
            ed_spec(0), ed_spec(1), ed_spec(2),
            pl.BlockSpec((4 * h, 5 * h), lambda t: (0, 0)),
            pl.BlockSpec((h, 5 * h), lambda t: (0, 0)),
            pl.BlockSpec((h, 5 * h), lambda t: (0, 0)),
            pl.BlockSpec((1, 5 * h), lambda t: (0, 0)),
            pl.BlockSpec((1, h), lambda t: (0, 0)),
            pl.BlockSpec((1, h), lambda t: (0, 0)),
            pl.BlockSpec((1, h), lambda t: (0, 0)),
        ],
        out_specs=pl.BlockSpec((1, M_, B_, h), lambda t: (t, 0, 0, 0)),
        out_shape=jax.ShapeDtypeStruct((T_, M_, B_, h), jnp.float32),
        scratch_shapes=[pltpu.VMEM((M_ + 1, B_, h), jnp.float32),
                        pltpu.VMEM((M_ + 1, B_, h), jnp.float32)],
        compiler_params=pltpu.CompilerParams(
            dimension_semantics=("arbitrary",)),
    )(Ed, Ed, Ed, wx, wl, wu, b2, lns2, lnb2, h_init)

    h_rows = _sc_gather(h_diag.reshape(T_ * M_ * B_, h),
                        jnp.asarray(_undiag_index()), csize=112)

    nblk = 8
    blk = (b * m * n) // nblk
    logits = pl.pallas_call(
        _head_kernel,
        grid=(nblk,),
        in_specs=[
            pl.BlockSpec((blk, h), lambda i: (i, 0)),
            pl.BlockSpec((h, 2 * h), lambda i: (0, 0)),
            pl.BlockSpec((1, 2 * h), lambda i: (0, 0)),
        ],
        out_specs=pl.BlockSpec((blk, 2 * h), lambda i: (i, 0)),
        out_shape=jax.ShapeDtypeStruct((b * m * n, 2 * h), jnp.float32),
    )(h_rows, head_w, head_b.reshape(1, 2 * h))

    return logits.reshape(b, m, n, 2 * h)

# --- scband reference (transcript-rebuilt; emitter-appended) ---
"""Pipeline reference for scband-spatial-lstm-28561532518655 (READ-ONLY COPY).

The authoritative reference and input builder live on the scoring server;
editing this copy changes nothing except your own understanding.
"""

import jax, jax.numpy as jnp
import numpy as np

VOCAB = 256
HID = 128
B, M, N = 32, 28, 28


def setup_inputs(seed: int = 0) -> dict:
    key = jax.random.key(seed)
    ks = jax.random.split(key, 8)
    h = HID
    H = 4 * h + 2 * h
    x_bmn = jax.random.randint(ks[0], (B, M, N), 0, VOCAB, dtype=jnp.int32)
    embed = jax.random.normal(ks[1], (VOCAB, h), dtype=jnp.float32) * 0.02
    gate_w = jax.random.normal(ks[2], (H, 5 * h), dtype=jnp.float32) * 0.02
    gate_b = jnp.zeros((5 * h,), dtype=jnp.float32)
    ln_scale = jnp.ones((h,), dtype=jnp.float32)
    ln_bias = jnp.zeros((h,), dtype=jnp.float32)
    h_init = jax.random.normal(ks[3], (1, h), dtype=jnp.float32) * 0.02
    head_w = jax.random.normal(ks[4], (h, VOCAB), dtype=jnp.float32) * 0.02
    head_b = jnp.zeros((VOCAB,), dtype=jnp.float32)
    return {"x_bmn": x_bmn, "embed": embed, "gate_w": gate_w, "gate_b": gate_b,
            "ln_scale": ln_scale, "ln_bias": ln_bias, "h_init": h_init,
            "head_w": head_w, "head_b": head_b}


def reference(x_bmn, embed, gate_w, gate_b, ln_scale, ln_bias, h_init, head_w, head_b):
    b, m, n = x_bmn.shape
    h = h_init.shape[1]

    def ln(z):
        mu = jnp.mean(z, axis=-1, keepdims=True)
        var = jnp.var(z, axis=-1, keepdims=True)
        return (z - mu) / jnp.sqrt(var + 1e-6) * ln_scale + ln_bias

    def cell(x_b4h, h_b2h, c_b2h):
        x_bH = jnp.concatenate([x_b4h, h_b2h], axis=-1)
        g = x_bH @ gate_w + gate_b
        f_c, f_r, i_, o_, gg = jnp.split(g, 5, axis=-1)
        fc = jax.nn.sigmoid(f_c)
        fr = jax.nn.sigmoid(f_r)
        ig = jax.nn.sigmoid(i_)
        og = jax.nn.sigmoid(o_)
        cg = jnp.tanh(gg)
        c_bh = fc * c_b2h[:, :h] + fr * c_b2h[:, h:] + ig * cg
        s_bh = og * jnp.tanh(ln(c_bh))
        return s_bh, c_bh

    x_p = jnp.pad(x_bmn, ((0, 0), (1, 0), (1, 1)), mode='constant', constant_values=0)
    x_bmnh = jnp.take(embed, x_p, axis=0)
    h_bmnh = jnp.zeros((b, m + 1, n + 2, h), dtype=jnp.float32)
    h_bmnh = h_bmnh.at[:, 0].set(jnp.tile(h_init, (n + 2, 1)))
    h_bmnh = h_bmnh.at[:, :, 0].set(jnp.tile(h_init, (m + 1, 1)))
    h_bmnh = h_bmnh.at[:, :, -1].set(jnp.tile(h_init, (m + 1, 1)))
    c_bmnh = jnp.zeros((b, m + 1, n + 2, h), dtype=jnp.float32)

    def step(carry, idx):
        xb, hb, cb = carry
        i = idx // (n + 2)
        j = idx % (n + 2)
        nb = jnp.concatenate([xb[:, i, j - 1], xb[:, i - 1, j - 1], xb[:, i - 1, j], xb[:, i - 1, j + 1]], axis=-1)
        inc_h = jnp.concatenate([hb[:, i, j - 1], hb[:, i - 1, j]], axis=-1)
        inc_c = jnp.concatenate([cb[:, i, j - 1], cb[:, i - 1, j]], axis=-1)
        h_bh, c_bh = cell(nb, inc_h, inc_c)
        hb = hb.at[:, i, j].set(h_bh)
        cb = cb.at[:, i, j].set(c_bh)
        return (xb, hb, cb), h_bh

    xs = jnp.asarray(np.array([i * (n + 2) + j for i in range(1, m + 1) for j in range(1, n + 1)], dtype=np.int32))
    _, h_sbh = jax.lax.scan(step, (x_bmnh, h_bmnh, c_bmnh), xs)
    h_out = h_sbh.reshape((b, m, n, h))
    logits = h_out @ head_w + head_b
    return logits

if __name__ == "__main__":
    import jax
    _d = setup_inputs()
    print(jax.jit(kernel)(*tuple(_d.values())))

</pallas_src>

<mosaic_0001>
#map = affine_map<(d0, d1) -> (0, 0)>
#map1 = affine_map<(d0, d1) -> (0)>
module attributes {stable_mosaic.version = 14 : i64} {
  func.func @k(%arg0: i32, %arg1: i32, %arg2: memref<49280x128xf32, #tpu.memory_space<hbm>>, %arg3: memref<25088xi32, #tpu.memory_space<hbm>>, %arg4: memref<25088x128xf32, #tpu.memory_space<hbm>>, %arg5: memref<784xi32, #tpu.memory_space<vmem>>, %arg6: memref<112x128xf32, #tpu.memory_space<vmem>>, %arg7: memref<112x128xf32, #tpu.memory_space<vmem>>, %arg8: memref<112x128xf32, #tpu.memory_space<vmem>>, %arg9: memref<!tpu.dma_semaphore, #tpu.memory_space<semaphore_mem>>, %arg10: memref<!tpu.dma_semaphore, #tpu.memory_space<semaphore_mem>>, %arg11: memref<!tpu.dma_semaphore, #tpu.memory_space<semaphore_mem>>, %arg12: memref<!tpu.dma_semaphore, #tpu.memory_space<semaphore_mem>>, %arg13: memref<!tpu.dma_semaphore, #tpu.memory_space<semaphore_mem>>, %arg14: memref<!tpu.dma_semaphore, #tpu.memory_space<semaphore_mem>>) attributes {dimension_semantics = [#tpu.dimension_semantics<core_parallel>, #tpu.dimension_semantics<subcore_parallel>], iteration_bounds = array<i64: 2, 16>, scalar_prefetch = 0 : i64, scratch_operands = 10 : i64, tpu.core_type = #tpu.core_type<sc_vector_subcore>, window_params = [{transform_indices = #map}, {transform_indices = #map1}, {transform_indices = #map}]} {
    %mul3A = arith.constant 2 : i32
    %mul3A_0 = arith.muli %arg1, %mul3A : i32
    %add3A = arith.addi %mul3A_0, %arg0 : i32
    %mul3A_1 = arith.constant 784 : i32
    %mul3A_2 = arith.muli %add3A, %mul3A_1 : i32
    "tpu.region"() ({
      %run_scoped3A = tpu.sem_alloc : memref<!tpu.dma_semaphore, #tpu.memory_space<semaphore_mem>>
      %dma_start3A_141 = tpu.memref_slice %arg3[%mul3A_2] : memref<25088xi32, #tpu.memory_space<hbm>> -> memref<784xi32, #tpu.memory_space<hbm>>
      %dma_start3A_142 = tpu.memref_slice %arg3[%mul3A_2] : memref<25088xi32, #tpu.memory_space<hbm>> -> memref<784xi32, #tpu.memory_space<hbm>>
      tpu.enqueue_dma source(%dma_start3A_142 : memref<784xi32, #tpu.memory_space<hbm>>) target(%arg5 : memref<784xi32, #tpu.memory_space<vmem>>) target_semaphore(%run_scoped3A : memref<!tpu.dma_semaphore, #tpu.memory_space<semaphore_mem>>)
      %dma_wait3A_143 = tpu.memref_slice %arg3[%mul3A_2] : memref<25088xi32, #tpu.memory_space<hbm>> -> memref<784xi32, #tpu.memory_space<hbm>>
      %dma_wait3A_144 = tpu.memref_slice %arg3[%mul3A_2] : memref<25088xi32, #tpu.memory_space<hbm>> -> memref<784xi32, #tpu.memory_space<hbm>>
      tpu.wait_dma2 semaphore(%run_scoped3A : memref<!tpu.dma_semaphore, #tpu.memory_space<semaphore_mem>>) src(%dma_wait3A_144 : memref<784xi32, #tpu.memory_space<hbm>>) dst(%arg5 : memref<784xi32, #tpu.memory_space<vmem>>)
      tpu.yield
    }) : () -> ()
    %dma_start3A = arith.constant 0 : i32
    %dma_start3A_3 = tpu.memref_slice %arg5[%dma_start3A] : memref<784xi32, #tpu.memory_space<vmem>> -> memref<112xi32, #tpu.memory_space<vmem>>
    %dma_start3A_4 = arith.constant 0 : i32
    %dma_start3A_5 = arith.constant 0 : i32
    %dma_start3A_6 = tpu.memref_slice %arg2[%dma_start3A_4, %dma_start3A_5] : memref<49280x128xf32, #tpu.memory_space<hbm>> -> memref<49280x128xf32, #tpu.memory_space<hbm>>
    tpu.enqueue_indirect_dma source(%dma_start3A_6 : memref<49280x128xf32, #tpu.memory_space<hbm>>) target(%arg6 : memref<112x128xf32, #tpu.memory_space<vmem>>) offsets(%dma_start3A_3 : memref<112xi32, #tpu.memory_space<vmem>>) semaphore(%arg9 : memref<!tpu.dma_semaphore, #tpu.memory_space<semaphore_mem>>)
    %dma_start3A_7 = arith.constant 112 : i32
    %dma_start3A_8 = tpu.memref_slice %arg5[%dma_start3A_7] : memref<784xi32, #tpu.memory_space<vmem>> -> memref<112xi32, #tpu.memory_space<vmem>>
    %dma_start3A_9 = arith.constant 0 : i32
    %dma_start3A_10 = arith.constant 0 : i32
    %dma_start3A_11 = tpu.memref_slice %arg2[%dma_start3A_9, %dma_start3A_10] : memref<49280x128xf32, #tpu.memory_space<hbm>> -> memref<49280x128xf32, #tpu.memory_space<hbm>>
    tpu.enqueue_indirect_dma source(%dma_start3A_11 : memref<49280x128xf32, #tpu.memory_space<hbm>>) target(%arg7 : memref<112x128xf32, #tpu.memory_space<vmem>>) offsets(%dma_start3A_8 : memref<112xi32, #tpu.memory_space<vmem>>) semaphore(%arg10 : memref<!tpu.dma_semaphore, #tpu.memory_space<semaphore_mem>>)
    %dma_wait3A = arith.constant 0 : i32
    %dma_wait3A_12 = tpu.memref_slice %arg5[%dma_wait3A] : memref<784xi32, #tpu.memory_space<vmem>> -> memref<112xi32, #tpu.memory_space<vmem>>
    %dma_wait3A_13 = arith.constant 0 : i32
    %dma_wait3A_14 = arith.constant 0 : i32
    %dma_wait3A_15 = tpu.memref_slice %arg2[%dma_wait3A_13, %dma_wait3A_14] : memref<49280x128xf32, #tpu.memory_space<hbm>> -> memref<49280x128xf32, #tpu.memory_space<hbm>>
    tpu.wait_indirect_dma semaphore(%arg9 : memref<!tpu.dma_semaphore, #tpu.memory_space<semaphore_mem>>) src(%dma_wait3A_15 : memref<49280x128xf32, #tpu.memory_space<hbm>>) dst(%arg6 : memref<112x128xf32, #tpu.memory_space<vmem>>)
    %add3A_16 = arith.constant 0 : i32
    %add3A_17 = arith.addi %mul3A_2, %add3A_16 : i32
    %dma_start3A_18 = arith.constant 0 : i32
    %dma_start3A_19 = tpu.memref_slice %arg4[%add3A_17, %dma_start3A_18] : memref<25088x128xf32, #tpu.memory_space<hbm>> -> memref<112x128xf32, #tpu.memory_space<hbm>>
    %dma_start3A_20 = arith.constant 0 : i32
    %dma_start3A_21 = tpu.memref_slice %arg4[%add3A_17, %dma_start3A_20] : memref<25088x128xf32, #tpu.memory_space<hbm>> -> memref<112x128xf32, #tpu.memory_space<hbm>>
    tpu.enqueue_dma source(%arg6 : memref<112x128xf32, #tpu.memory_space<vmem>>) target(%dma_start3A_21 : memref<112x128xf32, #tpu.memory_space<hbm>>) target_semaphore(%arg12 : memref<!tpu.dma_semaphore, #tpu.memory_space<semaphore_mem>>)
    %dma_start3A_22 = arith.constant 224 : i32
    %dma_start3A_23 = tpu.memref_slice %arg5[%dma_start3A_22] : memref<784xi32, #tpu.memory_space<vmem>> -> memref<112xi32, #tpu.memory_space<vmem>>
    %dma_start3A_24 = arith.constant 0 : i32
    %dma_start3A_25 = arith.constant 0 : i32
    %dma_start3A_26 = tpu.memref_slice %arg2[%dma_start3A_24, %dma_start3A_25] : memref<49280x128xf32, #tpu.memory_space<hbm>> -> memref<49280x128xf32, #tpu.memory_space<hbm>>
    tpu.enqueue_indirect_dma source(%dma_start3A_26 : memref<49280x128xf32, #tpu.memory_space<hbm>>) target(%arg8 : memref<112x128xf32, #tpu.memory_space<vmem>>) offsets(%dma_start3A_23 : memref<112xi32, #tpu.memory_space<vmem>>) semaphore(%arg11 : memref<!tpu.dma_semaphore, #tpu.memory_space<semaphore_mem>>)
    %dma_wait3A_27 = arith.constant 112 : i32
    %dma_wait3A_28 = tpu.memref_slice %arg5[%dma_wait3A_27] : memref<784xi32, #tpu.memory_space<vmem>> -> memref<112xi32, #tpu.memory_space<vmem>>
    %dma_wait3A_29 = arith.constant 0 : i32
    %dma_wait3A_30 = arith.constant 0 : i32
    %dma_wait3A_31 = tpu.memref_slice %arg2[%dma_wait3A_29, %dma_wait3A_30] : memref<49280x128xf32, #tpu.memory_space<hbm>> -> memref<49280x128xf32, #tpu.memory_space<hbm>>
    tpu.wait_indirect_dma semaphore(%arg10 : memref<!tpu.dma_semaphore, #tpu.memory_space<semaphore_mem>>) src(%dma_wait3A_31 : memref<49280x128xf32, #tpu.memory_space<hbm>>) dst(%arg7 : memref<112x128xf32, #tpu.memory_space<vmem>>)
    %add3A_32 = arith.constant 112 : i32
    %add3A_33 = arith.addi %mul3A_2, %add3A_32 : i32
    %dma_start3A_34 = arith.constant 0 : i32
    %dma_start3A_35 = tpu.memref_slice %arg4[%add3A_33, %dma_start3A_34] : memref<25088x128xf32, #tpu.memory_space<hbm>> -> memref<112x128xf32, #tpu.memory_space<hbm>>
    %dma_start3A_36 = arith.constant 0 : i32
    %dma_start3A_37 = tpu.memref_slice %arg4[%add3A_33, %dma_start3A_36] : memref<25088x128xf32, #tpu.memory_space<hbm>> -> memref<112x128xf32, #tpu.memory_space<hbm>>
    tpu.enqueue_dma source(%arg7 : memref<112x128xf32, #tpu.memory_space<vmem>>) target(%dma_start3A_37 : memref<112x128xf32, #tpu.memory_space<hbm>>) target_semaphore(%arg13 : memref<!tpu.dma_semaphore, #tpu.memory_space<semaphore_mem>>)
    %dma_wait3A_38 = arith.constant 0 : i32
    %dma_wait3A_39 = tpu.memref_slice %arg4[%add3A_17, %dma_wait3A_38] : memref<25088x128xf32, #tpu.memory_space<hbm>> -> memref<112x128xf32, #tpu.memory_space<hbm>>
    %dma_wait3A_40 = arith.constant 0 : i32
    %dma_wait3A_41 = tpu.memref_slice %arg4[%add3A_17, %dma_wait3A_40] : memref<25088x128xf32, #tpu.memory_space<hbm>> -> memref<112x128xf32, #tpu.memory_space<hbm>>
    tpu.wait_dma2 semaphore(%arg12 : memref<!tpu.dma_semaphore, #tpu.memory_space<semaphore_mem>>) src(%arg6 : memref<112x128xf32, #tpu.memory_space<vmem>>) dst(%dma_wait3A_41 : memref<112x128xf32, #tpu.memory_space<hbm>>)
    %dma_start3A_42 = arith.constant 336 : i32
    %dma_start3A_43 = tpu.memref_slice %arg5[%dma_start3A_42] : memref<784xi32, #tpu.memory_space<vmem>> -> memref<112xi32, #tpu.memory_space<vmem>>
    %dma_start3A_44 = arith.constant 0 : i32
    %dma_start3A_45 = arith.constant 0 : i32
    %dma_start3A_46 = tpu.memref_slice %arg2[%dma_start3A_44, %dma_start3A_45] : memref<49280x128xf32, #tpu.memory_space<hbm>> -> memref<49280x128xf32, #tpu.memory_space<hbm>>
    tpu.enqueue_indirect_dma source(%dma_start3A_46 : memref<49280x128xf32, #tpu.memory_space<hbm>>) target(%arg6 : memref<112x128xf32, #tpu.memory_space<vmem>>) offsets(%dma_start3A_43 : memref<112xi32, #tpu.memory_space<vmem>>) semaphore(%arg9 : memref<!tpu.dma_semaphore, #tpu.memory_space<semaphore_mem>>)
    %dma_wait3A_47 = arith.constant 224 : i32
    %dma_wait3A_48 = tpu.memref_slice %arg5[%dma_wait3A_47] : memref<784xi32, #tpu.memory_space<vmem>> -> memref<112xi32, #tpu.memory_space<vmem>>
    %dma_wait3A_49 = arith.constant 0 : i32
    %dma_wait3A_50 = arith.constant 0 : i32
    %dma_wait3A_51 = tpu.memref_slice %arg2[%dma_wait3A_49, %dma_wait3A_50] : memref<49280x128xf32, #tpu.memory_space<hbm>> -> memref<49280x128xf32, #tpu.memory_space<hbm>>
    tpu.wait_indirect_dma semaphore(%arg11 : memref<!tpu.dma_semaphore, #tpu.memory_space<semaphore_mem>>) src(%dma_wait3A_51 : memref<49280x128xf32, #tpu.memory_space<hbm>>) dst(%arg8 : memref<112x128xf32, #tpu.memory_space<vmem>>)
    %add3A_52 = arith.constant 224 : i32
    %add3A_53 = arith.addi %mul3A_2, %add3A_52 : i32
    %dma_start3A_54 = arith.constant 0 : i32
    %dma_start3A_55 = tpu.memref_slice %arg4[%add3A_53, %dma_start3A_54] : memref<25088x128xf32, #tpu.memory_space<hbm>> -> memref<112x128xf32, #tpu.memory_space<hbm>>
    %dma_start3A_56 = arith.constant 0 : i32
    %dma_start3A_57 = tpu.memref_slice %arg4[%add3A_53, %dma_start3A_56] : memref<25088x128xf32, #tpu.memory_space<hbm>> -> memref<112x128xf32, #tpu.memory_space<hbm>>
    tpu.enqueue_dma source(%arg8 : memref<112x128xf32, #tpu.memory_space<vmem>>) target(%dma_start3A_57 : memref<112x128xf32, #tpu.memory_space<hbm>>) target_semaphore(%arg14 : memref<!tpu.dma_semaphore, #tpu.memory_space<semaphore_mem>>)
    %dma_wait3A_58 = arith.constant 0 : i32
    %dma_wait3A_59 = tpu.memref_slice %arg4[%add3A_33, %dma_wait3A_58] : memref<25088x128xf32, #tpu.memory_space<hbm>> -> memref<112x128xf32, #tpu.memory_space<hbm>>
    %dma_wait3A_60 = arith.constant 0 : i32
    %dma_wait3A_61 = tpu.memref_slice %arg4[%add3A_33, %dma_wait3A_60] : memref<25088x128xf32, #tpu.memory_space<hbm>> -> memref<112x128xf32, #tpu.memory_space<hbm>>
    tpu.wait_dma2 semaphore(%arg13 : memref<!tpu.dma_semaphore, #tpu.memory_space<semaphore_mem>>) src(%arg7 : memref<112x128xf32, #tpu.memory_space<vmem>>) dst(%dma_wait3A_61 : memref<112x128xf32, #tpu.memory_space<hbm>>)
    %dma_start3A_62 = arith.constant 448 : i32
    %dma_start3A_63 = tpu.memref_slice %arg5[%dma_start3A_62] : memref<784xi32, #tpu.memory_space<vmem>> -> memref<112xi32, #tpu.memory_space<vmem>>
    %dma_start3A_64 = arith.constant 0 : i32
    %dma_start3A_65 = arith.constant 0 : i32
    %dma_start3A_66 = tpu.memref_slice %arg2[%dma_start3A_64, %dma_start3A_65] : memref<49280x128xf32, #tpu.memory_space<hbm>> -> memref<49280x128xf32, #tpu.memory_space<hbm>>
    tpu.enqueue_indirect_dma source(%dma_start3A_66 : memref<49280x128xf32, #tpu.memory_space<hbm>>) target(%arg7 : memref<112x128xf32, #tpu.memory_space<vmem>>) offsets(%dma_start3A_63 : memref<112xi32, #tpu.memory_space<vmem>>) semaphore(%arg10 : memref<!tpu.dma_semaphore, #tpu.memory_space<semaphore_mem>>)
    %dma_wait3A_67 = arith.constant 336 : i32
    %dma_wait3A_68 = tpu.memref_slice %arg5[%dma_wait3A_67] : memref<784xi32, #tpu.memory_space<vmem>> -> memref<112xi32, #tpu.memory_space<vmem>>
    %dma_wait3A_69 = arith.constant 0 : i32
    %dma_wait3A_70 = arith.constant 0 : i32
    %dma_wait3A_71 = tpu.memref_slice %arg2[%dma_wait3A_69, %dma_wait3A_70] : memref<49280x128xf32, #tpu.memory_space<hbm>> -> memref<49280x128xf32, #tpu.memory_space<hbm>>
    tpu.wait_indirect_dma semaphore(%arg9 : memref<!tpu.dma_semaphore, #tpu.memory_space<semaphore_mem>>) src(%dma_wait3A_71 : memref<49280x128xf32, #tpu.memory_space<hbm>>) dst(%arg6 : memref<112x128xf32, #tpu.memory_space<vmem>>)
    %add3A_72 = arith.constant 336 : i32
    %add3A_73 = arith.addi %mul3A_2, %add3A_72 : i32
    %dma_start3A_74 = arith.constant 0 : i32
    %dma_start3A_75 = tpu.memref_slice %arg4[%add3A_73, %dma_start3A_74] : memref<25088x128xf32, #tpu.memory_space<hbm>> -> memref<112x128xf32, #tpu.memory_space<hbm>>
    %dma_start3A_76 = arith.constant 0 : i32
    %dma_start3A_77 = tpu.memref_slice %arg4[%add3A_73, %dma_start3A_76] : memref<25088x128xf32, #tpu.memory_space<hbm>> -> memref<112x128xf32, #tpu.memory_space<hbm>>
    tpu.enqueue_dma source(%arg6 : memref<112x128xf32, #tpu.memory_space<vmem>>) target(%dma_start3A_77 : memref<112x128xf32, #tpu.memory_space<hbm>>) target_semaphore(%arg12 : memref<!tpu.dma_semaphore, #tpu.memory_space<semaphore_mem>>)
    %dma_wait3A_78 = arith.constant 0 : i32
    %dma_wait3A_79 = tpu.memref_slice %arg4[%add3A_53, %dma_wait3A_78] : memref<25088x128xf32, #tpu.memory_space<hbm>> -> memref<112x128xf32, #tpu.memory_space<hbm>>
    %dma_wait3A_80 = arith.constant 0 : i32
    %dma_wait3A_81 = tpu.memref_slice %arg4[%add3A_53, %dma_wait3A_80] : memref<25088x128xf32, #tpu.memory_space<hbm>> -> memref<112x128xf32, #tpu.memory_space<hbm>>
    tpu.wait_dma2 semaphore(%arg14 : memref<!tpu.dma_semaphore, #tpu.memory_space<semaphore_mem>>) src(%arg8 : memref<112x128xf32, #tpu.memory_space<vmem>>) dst(%dma_wait3A_81 : memref<112x128xf32, #tpu.memory_space<hbm>>)
    %dma_start3A_82 = arith.constant 560 : i32
    %dma_start3A_83 = tpu.memref_slice %arg5[%dma_start3A_82] : memref<784xi32, #tpu.memory_space<vmem>> -> memref<112xi32, #tpu.memory_space<vmem>>
    %dma_start3A_84 = arith.constant 0 : i32
    %dma_start3A_85 = arith.constant 0 : i32
    %dma_start3A_86 = tpu.memref_slice %arg2[%dma_start3A_84, %dma_start3A_85] : memref<49280x128xf32, #tpu.memory_space<hbm>> -> memref<49280x128xf32, #tpu.memory_space<hbm>>
    tpu.enqueue_indirect_dma source(%dma_start3A_86 : memref<49280x128xf32, #tpu.memory_space<hbm>>) target(%arg8 : memref<112x128xf32, #tpu.memory_space<vmem>>) offsets(%dma_start3A_83 : memref<112xi32, #tpu.memory_space<vmem>>) semaphore(%arg11 : memref<!tpu.dma_semaphore, #tpu.memory_space<semaphore_mem>>)
    %dma_wait3A_87 = arith.constant 448 : i32
    %dma_wait3A_88 = tpu.memref_slice %arg5[%dma_wait3A_87] : memref<784xi32, #tpu.memory_space<vmem>> -> memref<112xi32, #tpu.memory_space<vmem>>
    %dma_wait3A_89 = arith.constant 0 : i32
    %dma_wait3A_90 = arith.constant 0 : i32
    %dma_wait3A_91 = tpu.memref_slice %arg2[%dma_wait3A_89, %dma_wait3A_90] : memref<49280x128xf32, #tpu.memory_space<hbm>> -> memref<49280x128xf32, #tpu.memory_space<hbm>>
    tpu.wait_indirect_dma semaphore(%arg10 : memref<!tpu.dma_semaphore, #tpu.memory_space<semaphore_mem>>) src(%dma_wait3A_91 : memref<49280x128xf32, #tpu.memory_space<hbm>>) dst(%arg7 : memref<112x128xf32, #tpu.memory_space<vmem>>)
    %add3A_92 = arith.constant 448 : i32
    %add3A_93 = arith.addi %mul3A_2, %add3A_92 : i32
    %dma_start3A_94 = arith.constant 0 : i32
    %dma_start3A_95 = tpu.memref_slice %arg4[%add3A_93, %dma_start3A_94] : memref<25088x128xf32, #tpu.memory_space<hbm>> -> memref<112x128xf32, #tpu.memory_space<hbm>>
    %dma_start3A_96 = arith.constant 0 : i32
    %dma_start3A_97 = tpu.memref_slice %arg4[%add3A_93, %dma_start3A_96] : memref<25088x128xf32, #tpu.memory_space<hbm>> -> memref<112x128xf32, #tpu.memory_space<hbm>>
    tpu.enqueue_dma source(%arg7 : memref<112x128xf32, #tpu.memory_space<vmem>>) target(%dma_start3A_97 : memref<112x128xf32, #tpu.memory_space<hbm>>) target_semaphore(%arg13 : memref<!tpu.dma_semaphore, #tpu.memory_space<semaphore_mem>>)
    %dma_wait3A_98 = arith.constant 0 : i32
    %dma_wait3A_99 = tpu.memref_slice %arg4[%add3A_73, %dma_wait3A_98] : memref<25088x128xf32, #tpu.memory_space<hbm>> -> memref<112x128xf32, #tpu.memory_space<hbm>>
    %dma_wait3A_100 = arith.constant 0 : i32
    %dma_wait3A_101 = tpu.memref_slice %arg4[%add3A_73, %dma_wait3A_100] : memref<25088x128xf32, #tpu.memory_space<hbm>> -> memref<112x128xf32, #tpu.memory_space<hbm>>
    tpu.wait_dma2 semaphore(%arg12 : memref<!tpu.dma_semaphore, #tpu.memory_space<semaphore_mem>>) src(%arg6 : memref<112x128xf32, #tpu.memory_space<vmem>>) dst(%dma_wait3A_101 : memref<112x128xf32, #tpu.memory_space<hbm>>)
    %dma_start3A_102 = arith.constant 672 : i32
    %dma_start3A_103 = tpu.memref_slice %arg5[%dma_start3A_102] : memref<784xi32, #tpu.memory_space<vmem>> -> memref<112xi32, #tpu.memory_space<vmem>>
    %dma_start3A_104 = arith.constant 0 : i32
    %dma_start3A_105 = arith.constant 0 : i32
    %dma_start3A_106 = tpu.memref_slice %arg2[%dma_start3A_104, %dma_start3A_105] : memref<49280x128xf32, #tpu.memory_space<hbm>> -> memref<49280x128xf32, #tpu.memory_space<hbm>>
    tpu.enqueue_indirect_dma source(%dma_start3A_106 : memref<49280x128xf32, #tpu.memory_space<hbm>>) target(%arg6 : memref<112x128xf32, #tpu.memory_space<vmem>>) offsets(%dma_start3A_103 : memref<112xi32, #tpu.memory_space<vmem>>) semaphore(%arg9 : memref<!tpu.dma_semaphore, #tpu.memory_space<semaphore_mem>>)
    %dma_wait3A_107 = arith.constant 560 : i32
    %dma_wait3A_108 = tpu.memref_slice %arg5[%dma_wait3A_107] : memref<784xi32, #tpu.memory_space<vmem>> -> memref<112xi32, #tpu.memory_space<vmem>>
    %dma_wait3A_109 = arith.constant 0 : i32
    %dma_wait3A_110 = arith.constant 0 : i32
    %dma_wait3A_111 = tpu.memref_slice %arg2[%dma_wait3A_109, %dma_wait3A_110] : memref<49280x128xf32, #tpu.memory_space<hbm>> -> memref<49280x128xf32, #tpu.memory_space<hbm>>
    tpu.wait_indirect_dma semaphore(%arg11 : memref<!tpu.dma_semaphore, #tpu.memory_space<semaphore_mem>>) src(%dma_wait3A_111 : memref<49280x128xf32, #tpu.memory_space<hbm>>) dst(%arg8 : memref<112x128xf32, #tpu.memory_space<vmem>>)
    %add3A_112 = arith.constant 560 : i32
    %add3A_113 = arith.addi %mul3A_2, %add3A_112 : i32
    %dma_start3A_114 = arith.constant 0 : i32
    %dma_start3A_115 = tpu.memref_slice %arg4[%add3A_113, %dma_start3A_114] : memref<25088x128xf32, #tpu.memory_space<hbm>> -> memref<112x128xf32, #tpu.memory_space<hbm>>
    %dma_start3A_116 = arith.constant 0 : i32
    %dma_start3A_117 = tpu.memref_slice %arg4[%add3A_113, %dma_start3A_116] : memref<25088x128xf32, #tpu.memory_space<hbm>> -> memref<112x128xf32, #tpu.memory_space<hbm>>
    tpu.enqueue_dma source(%arg8 : memref<112x128xf32, #tpu.memory_space<vmem>>) target(%dma_start3A_117 : memref<112x128xf32, #tpu.memory_space<hbm>>) target_semaphore(%arg14 : memref<!tpu.dma_semaphore, #tpu.memory_space<semaphore_mem>>)
    %dma_wait3A_118 = arith.constant 672 : i32
    %dma_wait3A_119 = tpu.memref_slice %arg5[%dma_wait3A_118] : memref<784xi32, #tpu.memory_space<vmem>> -> memref<112xi32, #tpu.memory_space<vmem>>
    %dma_wait3A_120 = arith.constant 0 : i32
    %dma_wait3A_121 = arith.constant 0 : i32
    %dma_wait3A_122 = tpu.memref_slice %arg2[%dma_wait3A_120, %dma_wait3A_121] : memref<49280x128xf32, #tpu.memory_space<hbm>> -> memref<49280x128xf32, #tpu.memory_space<hbm>>
    tpu.wait_indirect_dma semaphore(%arg9 : memref<!tpu.dma_semaphore, #tpu.memory_space<semaphore_mem>>) src(%dma_wait3A_122 : memref<49280x128xf32, #tpu.memory_space<hbm>>) dst(%arg6 : memref<112x128xf32, #tpu.memory_space<vmem>>)
    %add3A_123 = arith.constant 672 : i32
    %add3A_124 = arith.addi %mul3A_2, %add3A_123 : i32
    %dma_start3A_125 = arith.constant 0 : i32
    %dma_start3A_126 = tpu.memref_slice %arg4[%add3A_124, %dma_start3A_125] : memref<25088x128xf32, #tpu.memory_space<hbm>> -> memref<112x128xf32, #tpu.memory_space<hbm>>
    %dma_start3A_127 = arith.constant 0 : i32
    %dma_start3A_128 = tpu.memref_slice %arg4[%add3A_124, %dma_start3A_127] : memref<25088x128xf32, #tpu.memory_space<hbm>> -> memref<112x128xf32, #tpu.memory_space<hbm>>
    tpu.enqueue_dma source(%arg6 : memref<112x128xf32, #tpu.memory_space<vmem>>) target(%dma_start3A_128 : memref<112x128xf32, #tpu.memory_space<hbm>>) target_semaphore(%arg12 : memref<!tpu.dma_semaphore, #tpu.memory_space<semaphore_mem>>)
    %dma_wait3A_129 = arith.constant 0 : i32
    %dma_wait3A_130 = tpu.memref_slice %arg4[%add3A_93, %dma_wait3A_129] : memref<25088x128xf32, #tpu.memory_space<hbm>> -> memref<112x128xf32, #tpu.memory_space<hbm>>
    %dma_wait3A_131 = arith.constant 0 : i32
    %dma_wait3A_132 = tpu.memref_slice %arg4[%add3A_93, %dma_wait3A_131] : memref<25088x128xf32, #tpu.memory_space<hbm>> -> memref<112x128xf32, #tpu.memory_space<hbm>>
    tpu.wait_dma2 semaphore(%arg13 : memref<!tpu.dma_semaphore, #tpu.memory_space<semaphore_mem>>) src(%arg7 : memref<112x128xf32, #tpu.memory_space<vmem>>) dst(%dma_wait3A_132 : memref<112x128xf32, #tpu.memory_space<hbm>>)
    %dma_wait3A_133 = arith.constant 0 : i32
    %dma_wait3A_134 = tpu.memref_slice %arg4[%add3A_113, %dma_wait3A_133] : memref<25088x128xf32, #tpu.memory_space<hbm>> -> memref<112x128xf32, #tpu.memory_space<hbm>>
    %dma_wait3A_135 = arith.constant 0 : i32
    %dma_wait3A_136 = tpu.memref_slice %arg4[%add3A_113, %dma_wait3A_135] : memref<25088x128xf32, #tpu.memory_space<hbm>> -> memref<112x128xf32, #tpu.memory_space<hbm>>
    tpu.wait_dma2 semaphore(%arg14 : memref<!tpu.dma_semaphore, #tpu.memory_space<semaphore_mem>>) src(%arg8 : memref<112x128xf32, #tpu.memory_space<vmem>>) dst(%dma_wait3A_136 : memref<112x128xf32, #tpu.memory_space<hbm>>)
    %dma_wait3A_137 = arith.constant 0 : i32
    %dma_wait3A_138 = tpu.memref_slice %arg4[%add3A_124, %dma_wait3A_137] : memref<25088x128xf32, #tpu.memory_space<hbm>> -> memref<112x128xf32, #tpu.memory_space<hbm>>
    %dma_wait3A_139 = arith.constant 0 : i32
    %dma_wait3A_140 = tpu.memref_slice %arg4[%add3A_124, %dma_wait3A_139] : memref<25088x128xf32, #tpu.memory_space<hbm>> -> memref<112x128xf32, #tpu.memory_space<hbm>>
    tpu.wait_dma2 semaphore(%arg12 : memref<!tpu.dma_semaphore, #tpu.memory_space<semaphore_mem>>) src(%arg6 : memref<112x128xf32, #tpu.memory_space<vmem>>) dst(%dma_wait3A_140 : memref<112x128xf32, #tpu.memory_space<hbm>>)
    return
  }
}

module attributes {stable_mosaic.version = 14 : i64} {
  func.func @_recurrence_kernel(%arg0: i32, %arg1: memref<1x29x32x128xbf16, #tpu.memory_space<vmem>>, %arg2: memref<1x29x32x128xbf16, #tpu.memory_space<vmem>>, %arg3: memref<1x29x32x128xbf16, #tpu.memory_space<vmem>>, %arg4: memref<512x640xbf16, #tpu.memory_space<vmem>>, %arg5: memref<128x640xf32, #tpu.memory_space<vmem>>, %arg6: memref<128x640xf32, #tpu.memory_space<vmem>>, %arg7: memref<1x640xf32, #tpu.memory_space<vmem>>, %arg8: memref<1x128xf32, #tpu.memory_space<vmem>>, %arg9: memref<1x128xf32, #tpu.memory_space<vmem>>, %arg10: memref<1x128xf32, #tpu.memory_space<vmem>>, %arg11: memref<1x28x32x128xf32, #tpu.memory_space<vmem>>, %arg12: memref<29x32x128xf32, #tpu.memory_space<vmem>>, %arg13: memref<29x32x128xf32, #tpu.memory_space<vmem>>) attributes {dimension_semantics = [#tpu.dimension_semantics<arbitrary>], iteration_bounds = array<i64: 55>, scalar_prefetch = 0 : i64, scratch_operands = 2 : i64, tpu.core_type = #tpu.core_type<tc>, window_params = [{transform_indices = @transform_0, window_bounds = array<i64: 1, 29, 32, 128>}, {transform_indices = @transform_1, window_bounds = array<i64: 1, 29, 32, 128>}, {transform_indices = @transform_2, window_bounds = array<i64: 1, 29, 32, 128>}, {pipeline_mode = #tpu.pipeline_mode<synchronous>, transform_indices = @transform_3, window_bounds = array<i64: 512, 640>}, {pipeline_mode = #tpu.pipeline_mode<synchronous>, transform_indices = @transform_4, window_bounds = array<i64: 128, 640>}, {pipeline_mode = #tpu.pipeline_mode<synchronous>, transform_indices = @transform_5, window_bounds = array<i64: 128, 640>}, {pipeline_mode = #tpu.pipeline_mode<synchronous>, transform_indices = @transform_6, window_bounds = array<i64: 1, 640>}, {pipeline_mode = #tpu.pipeline_mode<synchronous>, transform_indices = @transform_7, window_bounds = array<i64: 1, 128>}, {pipeline_mode = #tpu.pipeline_mode<synchronous>, transform_indices = @transform_8, window_bounds = array<i64: 1, 128>}, {pipeline_mode = #tpu.pipeline_mode<synchronous>, transform_indices = @transform_9, window_bounds = array<i64: 1, 128>}, {transform_indices = @transform_10, window_bounds = array<i64: 1, 28, 32, 128>}]} {
    %eq3A = arith.constant 0 : i32
    %eq3A_0 = arith.cmpi eq, %arg0, %eq3A : i32
    %convert_element_type3A = arith.extui %eq3A_0 : i1 to i32
    %cond3A = arith.constant 0 : i32
    %cond3A_1 = arith.cmpi ne, %convert_element_type3A, %cond3A : i32
    scf.if %cond3A_1 {
      %get3A_180 = arith.constant 0 : index
      %get3A_181 = arith.constant 0 : index
      %get3A_182 = vector.load %arg10[%get3A_180, %get3A_181] : memref<1x128xf32, #tpu.memory_space<vmem>>, vector<1x128xf32>
      %broadcast_in_dim3A_183 = vector.shape_cast %get3A_182 : vector<1x128xf32> to vector<1x1x128xf32>
      %broadcast_in_dim3A_184 = vector.broadcast %broadcast_in_dim3A_183 : vector<1x1x128xf32> to vector<29x32x128xf32>
      %swap3A_185 = arith.constant 0 : index
      %swap3A_186 = arith.constant 0 : index
      %swap3A_187 = arith.constant 0 : index
      %swap3A_188 = vector.load %arg12[%swap3A_185, %swap3A_186, %swap3A_187] : memref<29x32x128xf32, #tpu.memory_space<vmem>>, vector<29x32x128xf32>
      tpu.vector_store %arg12[%swap3A_185, %swap3A_186, %swap3A_187], %broadcast_in_dim3A_184 {strides = array<i32>} : memref<29x32x128xf32, #tpu.memory_space<vmem>>, vector<29x32x128xf32>,
      %broadcast_in_dim3A_189 = arith.constant 0.000000e+00 : f32
      %broadcast_in_dim3A_190 = vector.broadcast %broadcast_in_dim3A_189 : f32 to vector<29x32x128xf32>
      %swap3A_191 = arith.constant 0 : index
      %swap3A_192 = arith.constant 0 : index
      %swap3A_193 = arith.constant 0 : index
      %swap3A_194 = vector.load %arg13[%swap3A_191, %swap3A_192, %swap3A_193] : memref<29x32x128xf32, #tpu.memory_space<vmem>>, vector<29x32x128xf32>
      tpu.vector_store %arg13[%swap3A_191, %swap3A_192, %swap3A_193], %broadcast_in_dim3A_190 {strides = array<i32>} : memref<29x32x128xf32, #tpu.memory_space<vmem>>, vector<29x32x128xf32>,
    } else {
    }
    %get3A = arith.constant 0 : index
    %get3A_2 = arith.constant 0 : index
    %get3A_3 = arith.constant 0 : index
    %get3A_4 = arith.constant 0 : index
    %get3A_5 = vector.load %arg1[%get3A, %get3A_2, %get3A_3, %get3A_4] : memref<1x29x32x128xbf16, #tpu.memory_space<vmem>>, vector<1x29x32x128xbf16>
    %get3A_6 = vector.shape_cast %get3A_5 : vector<1x29x32x128xbf16> to vector<29x32x128xbf16>
    %get3A_7 = arith.constant 0 : index
    %get3A_8 = arith.constant 0 : index
    %get3A_9 = arith.constant 0 : index
    %get3A_10 = arith.constant 0 : index
    %get3A_11 = vector.load %arg2[%get3A_7, %get3A_8, %get3A_9, %get3A_10] : memref<1x29x32x128xbf16, #tpu.memory_space<vmem>>, vector<1x29x32x128xbf16>
    %get3A_12 = vector.shape_cast %get3A_11 : vector<1x29x32x128xbf16> to vector<29x32x128xbf16>
    %get3A_13 = arith.constant 0 : index
    %get3A_14 = arith.constant 0 : index
    %get3A_15 = arith.constant 0 : index
    %get3A_16 = arith.constant 0 : index
    %get3A_17 = vector.load %arg3[%get3A_13, %get3A_14, %get3A_15, %get3A_16] : memref<1x29x32x128xbf16, #tpu.memory_space<vmem>>, vector<1x29x32x128xbf16>
    %get3A_18 = vector.shape_cast %get3A_17 : vector<1x29x32x128xbf16> to vector<29x32x128xbf16>
    %slice3A = vector.extract_strided_slice %get3A_12 {offsets = [1, 0, 0], sizes = [28, 32, 128], strides = [1, 1, 1]} : vector<29x32x128xbf16> to vector<28x32x128xbf16>
    %reshape3A = vector.shape_cast %slice3A : vector<28x32x128xbf16> to vector<896x128xbf16>
    %slice3A_19 = vector.extract_strided_slice %get3A_6 {offsets = [0, 0, 0], sizes = [28, 32, 128], strides = [1, 1, 1]} : vector<29x32x128xbf16> to vector<28x32x128xbf16>
    %reshape3A_20 = vector.shape_cast %slice3A_19 : vector<28x32x128xbf16> to vector<896x128xbf16>
    %slice3A_21 = vector.extract_strided_slice %get3A_12 {offsets = [0, 0, 0], sizes = [28, 32, 128], strides = [1, 1, 1]} : vector<29x32x128xbf16> to vector<28x32x128xbf16>
    %reshape3A_22 = vector.shape_cast %slice3A_21 : vector<28x32x128xbf16> to vector<896x128xbf16>
    %slice3A_23 = vector.extract_strided_slice %get3A_18 {offsets = [0, 0, 0], sizes = [28, 32, 128], strides = [1, 1, 1]} : vector<29x32x128xbf16> to vector<28x32x128xbf16>
    %reshape3A_24 = vector.shape_cast %slice3A_23 : vector<28x32x128xbf16> to vector<896x128xbf16>
    %get3A_25 = arith.constant 1 : index
    %get3A_26 = arith.constant 0 : index
    %get3A_27 = arith.constant 0 : index
    %get3A_28 = vector.load %arg12[%get3A_25, %get3A_26, %get3A_27] : memref<29x32x128xf32, #tpu.memory_space<vmem>>, vector<28x32x128xf32>
    %reshape3A_29 = vector.shape_cast %get3A_28 : vector<28x32x128xf32> to vector<896x128xf32>
    %get3A_30 = arith.constant 0 : index
    %get3A_31 = arith.constant 0 : index
    %get3A_32 = arith.constant 0 : index
    %get3A_33 = vector.load %arg12[%get3A_30, %get3A_31, %get3A_32] : memref<29x32x128xf32, #tpu.memory_space<vmem>>, vector<28x32x128xf32>
    %reshape3A_34 = vector.shape_cast %get3A_33 : vector<28x32x128xf32> to vector<896x128xf32>
    %get3A_35 = arith.constant 1 : index
    %get3A_36 = arith.constant 0 : index
    %get3A_37 = arith.constant 0 : index
    %get3A_38 = vector.load %arg13[%get3A_35, %get3A_36, %get3A_37] : memref<29x32x128xf32, #tpu.memory_space<vmem>>, vector<28x32x128xf32>
    %reshape3A_39 = vector.shape_cast %get3A_38 : vector<28x32x128xf32> to vector<896x128xf32>
    %get3A_40 = arith.constant 0 : index
    %get3A_41 = arith.constant 0 : index
    %get3A_42 = arith.constant 0 : index
    %get3A_43 = vector.load %arg13[%get3A_40, %get3A_41, %get3A_42] : memref<29x32x128xf32, #tpu.memory_space<vmem>>, vector<28x32x128xf32>
    %reshape3A_44 = vector.shape_cast %get3A_43 : vector<28x32x128xf32> to vector<896x128xf32>
    %get3A_45 = arith.constant 0 : index
    %get3A_46 = arith.constant 0 : index
    %get3A_47 = vector.load %arg4[%get3A_45, %get3A_46] : memref<512x640xbf16, #tpu.memory_space<vmem>>, vector<128x640xbf16>
    %dot_general3A = arith.constant dense<0.000000e+00> : vector<896x640xf32>
    %dot_general3A_48 = tpu.matmul %reshape3A, %get3A_47, %dot_general3A {dimension_numbers = #tpu.dot_dimension_numbers<[1], [0], [0], [1], [0, 0, 1, 1], [], []>, transpose_lhs_hint = false} : vector<896x128xbf16>, vector<128x640xbf16>, vector<896x640xf32> -> vector<896x640xf32>
    %get3A_49 = arith.constant 128 : index
    %get3A_50 = arith.constant 0 : index
    %get3A_51 = vector.load %arg4[%get3A_49, %get3A_50] : memref<512x640xbf16, #tpu.memory_space<vmem>>, vector<128x640xbf16>
    %dot_general3A_52 = arith.constant dense<0.000000e+00> : vector<896x640xf32>
    %dot_general3A_53 = tpu.matmul %reshape3A_20, %get3A_51, %dot_general3A_52 {dimension_numbers = #tpu.dot_dimension_numbers<[1], [0], [0], [1], [0, 0, 1, 1], [], []>, transpose_lhs_hint = false} : vector<896x128xbf16>, vector<128x640xbf16>, vector<896x640xf32> -> vector<896x640xf32>
    %add3A = arith.addf %dot_general3A_48, %dot_general3A_53 : vector<896x640xf32>
    %get3A_54 = arith.constant 256 : index
    %get3A_55 = arith.constant 0 : index
    %get3A_56 = vector.load %arg4[%get3A_54, %get3A_55] : memref<512x640xbf16, #tpu.memory_space<vmem>>, vector<128x640xbf16>
    %dot_general3A_57 = arith.constant dense<0.000000e+00> : vector<896x640xf32>
    %dot_general3A_58 = tpu.matmul %reshape3A_22, %get3A_56, %dot_general3A_57 {dimension_numbers = #tpu.dot_dimension_numbers<[1], [0], [0], [1], [0, 0, 1, 1], [], []>, transpose_lhs_hint = false} : vector<896x128xbf16>, vector<128x640xbf16>, vector<896x640xf32> -> vector<896x640xf32>
    %add3A_59 = arith.addf %add3A, %dot_general3A_58 : vector<896x640xf32>
    %get3A_60 = arith.constant 384 : index
    %get3A_61 = arith.constant 0 : index
    %get3A_62 = vector.load %arg4[%get3A_60, %get3A_61] : memref<512x640xbf16, #tpu.memory_space<vmem>>, vector<128x640xbf16>
    %dot_general3A_63 = arith.constant dense<0.000000e+00> : vector<896x640xf32>
    %dot_general3A_64 = tpu.matmul %reshape3A_24, %get3A_62, %dot_general3A_63 {dimension_numbers = #tpu.dot_dimension_numbers<[1], [0], [0], [1], [0, 0, 1, 1], [], []>, transpose_lhs_hint = false} : vector<896x128xbf16>, vector<128x640xbf16>, vector<896x640xf32> -> vector<896x640xf32>
    %add3A_65 = arith.addf %add3A_59, %dot_general3A_64 : vector<896x640xf32>
    %get3A_66 = arith.constant 0 : index
    %get3A_67 = arith.constant 0 : index
    %get3A_68 = vector.load %arg5[%get3A_66, %get3A_67] : memref<128x640xf32, #tpu.memory_space<vmem>>, vector<128x640xf32>
    %dot_general3A_69 = arith.constant dense<0.000000e+00> : vector<896x640xf32>
    %dot_general3A_70 = tpu.matmul %reshape3A_29, %get3A_68, %dot_general3A_69 {dimension_numbers = #tpu.dot_dimension_numbers<[1], [0], [0], [1], [0, 0, 1, 1], [], []>, transpose_lhs_hint = false} : vector<896x128xf32>, vector<128x640xf32>, vector<896x640xf32> -> vector<896x640xf32>
    %add3A_71 = arith.addf %add3A_65, %dot_general3A_70 : vector<896x640xf32>
    %get3A_72 = arith.constant 0 : index
    %get3A_73 = arith.constant 0 : index
    %get3A_74 = vector.load %arg6[%get3A_72, %get3A_73] : memref<128x640xf32, #tpu.memory_space<vmem>>, vector<128x640xf32>
    %dot_general3A_75 = arith.constant dense<0.000000e+00> : vector<896x640xf32>
    %dot_general3A_76 = tpu.matmul %reshape3A_34, %get3A_74, %dot_general3A_75 {dimension_numbers = #tpu.dot_dimension_numbers<[1], [0], [0], [1], [0, 0, 1, 1], [], []>, transpose_lhs_hint = false} : vector<896x128xf32>, vector<128x640xf32>, vector<896x640xf32> -> vector<896x640xf32>
    %add3A_77 = arith.addf %add3A_71, %dot_general3A_76 : vector<896x640xf32>
    %get3A_78 = arith.constant 0 : index
    %get3A_79 = arith.constant 0 : index
    %get3A_80 = vector.load %arg7[%get3A_78, %get3A_79] : memref<1x640xf32, #tpu.memory_space<vmem>>, vector<1x640xf32>
    %add3A_81 = vector.broadcast %get3A_80 : vector<1x640xf32> to vector<896x640xf32>
    %add3A_82 = arith.addf %add3A_77, %add3A_81 : vector<896x640xf32>
    %slice3A_83 = vector.extract_strided_slice %add3A_82 {offsets = [0, 0], sizes = [896, 128], strides = [1, 1]} : vector<896x640xf32> to vector<896x128xf32>
    %logistic3A = arith.negf %slice3A_83 : vector<896x128xf32>
    %logistic3A_84 = math.exp %logistic3A : vector<896x128xf32>
    %logistic3A_85 = arith.constant 1.000000e+00 : f32
    %logistic3A_86 = vector.broadcast %logistic3A_85 : f32 to vector<896x128xf32>
    %logistic3A_87 = arith.addf %logistic3A_86, %logistic3A_84 : vector<896x128xf32>
    %logistic3A_88 = arith.divf %logistic3A_86, %logistic3A_87 : vector<896x128xf32>
    %slice3A_89 = vector.extract_strided_slice %add3A_82 {offsets = [0, 128], sizes = [896, 128], strides = [1, 1]} : vector<896x640xf32> to vector<896x128xf32>
    %logistic3A_90 = arith.negf %slice3A_89 : vector<896x128xf32>
    %logistic3A_91 = math.exp %logistic3A_90 : vector<896x128xf32>
    %logistic3A_92 = arith.constant 1.000000e+00 : f32
    %logistic3A_93 = vector.broadcast %logistic3A_92 : f32 to vector<896x128xf32>
    %logistic3A_94 = arith.addf %logistic3A_93, %logistic3A_91 : vector<896x128xf32>
    %logistic3A_95 = arith.divf %logistic3A_93, %logistic3A_94 : vector<896x128xf32>
    %slice3A_96 = vector.extract_strided_slice %add3A_82 {offsets = [0, 256], sizes = [896, 128], strides = [1, 1]} : vector<896x640xf32> to vector<896x128xf32>
    %logistic3A_97 = arith.negf %slice3A_96 : vector<896x128xf32>
    %logistic3A_98 = math.exp %logistic3A_97 : vector<896x128xf32>
    %logistic3A_99 = arith.constant 1.000000e+00 : f32
    %logistic3A_100 = vector.broadcast %logistic3A_99 : f32 to vector<896x128xf32>
    %logistic3A_101 = arith.addf %logistic3A_100, %logistic3A_98 : vector<896x128xf32>
    %logistic3A_102 = arith.divf %logistic3A_100, %logistic3A_101 : vector<896x128xf32>
    %slice3A_103 = vector.extract_strided_slice %add3A_82 {offsets = [0, 384], sizes = [896, 128], strides = [1, 1]} : vector<896x640xf32> to vector<896x128xf32>
    %logistic3A_104 = arith.negf %slice3A_103 : vector<896x128xf32>
    %logistic3A_105 = math.exp %logistic3A_104 : vector<896x128xf32>
    %logistic3A_106 = arith.constant 1.000000e+00 : f32
    %logistic3A_107 = vector.broadcast %logistic3A_106 : f32 to vector<896x128xf32>
    %logistic3A_108 = arith.addf %logistic3A_107, %logistic3A_105 : vector<896x128xf32>
    %logistic3A_109 = arith.divf %logistic3A_107, %logistic3A_108 : vector<896x128xf32>
    %slice3A_110 = vector.extract_strided_slice %add3A_82 {offsets = [0, 512], sizes = [896, 128], strides = [1, 1]} : vector<896x640xf32> to vector<896x128xf32>
    %tanh3A = math.tanh %slice3A_110 : vector<896x128xf32>
    %mul3A = arith.mulf %logistic3A_88, %reshape3A_39 : vector<896x128xf32>
    %mul3A_111 = arith.mulf %logistic3A_95, %reshape3A_44 : vector<896x128xf32>
    %add3A_112 = arith.addf %mul3A, %mul3A_111 : vector<896x128xf32>
    %mul3A_113 = arith.mulf %logistic3A_102, %tanh3A : vector<896x128xf32>
    %add3A_114 = arith.addf %add3A_112, %mul3A_113 : vector<896x128xf32>
    %reduce_sum3A = arith.constant dense<0.000000e+00> : vector<896xf32>
    %reduce_sum3A_115 = vector.multi_reduction <add>, %add3A_114, %reduce_sum3A [1] : vector<896x128xf32> to vector<896xf32>
    %broadcast_in_dim3A = vector.shape_cast %reduce_sum3A_115 : vector<896xf32> to vector<896x1xf32>
    %div3A = arith.constant 1.280000e+02 : f32
    %div3A_116 = vector.broadcast %div3A : f32 to vector<896x1xf32>
    %div3A_117 = arith.divf %broadcast_in_dim3A, %div3A_116 : vector<896x1xf32>
    %sub3A = vector.broadcast %div3A_117 : vector<896x1xf32> to vector<896x128xf32>
    %sub3A_118 = arith.subf %add3A_114, %sub3A : vector<896x128xf32>
    %sub3A_119 = vector.broadcast %div3A_117 : vector<896x1xf32> to vector<896x128xf32>
    %sub3A_120 = arith.subf %add3A_114, %sub3A_119 : vector<896x128xf32>
    %mul3A_121 = arith.mulf %sub3A_118, %sub3A_120 : vector<896x128xf32>
    %reduce_sum3A_122 = arith.constant dense<0.000000e+00> : vector<896xf32>
    %reduce_sum3A_123 = vector.multi_reduction <add>, %mul3A_121, %reduce_sum3A_122 [1] : vector<896x128xf32> to vector<896xf32>
    %broadcast_in_dim3A_124 = vector.shape_cast %reduce_sum3A_123 : vector<896xf32> to vector<896x1xf32>
    %div3A_125 = arith.constant 1.280000e+02 : f32
    %div3A_126 = vector.broadcast %div3A_125 : f32 to vector<896x1xf32>
    %div3A_127 = arith.divf %broadcast_in_dim3A_124, %div3A_126 : vector<896x1xf32>
    %sub3A_128 = vector.broadcast %div3A_117 : vector<896x1xf32> to vector<896x128xf32>
    %sub3A_129 = arith.subf %add3A_114, %sub3A_128 : vector<896x128xf32>
    %add3A_130 = arith.constant 9.99999997E-7 : f32
    %add3A_131 = vector.broadcast %add3A_130 : f32 to vector<896x1xf32>
    %add3A_132 = arith.addf %div3A_127, %add3A_131 : vector<896x1xf32>
    %rsqrt3A = math.rsqrt %add3A_132 : vector<896x1xf32>
    %mul3A_133 = vector.broadcast %rsqrt3A : vector<896x1xf32> to vector<896x128xf32>
    %mul3A_134 = arith.mulf %sub3A_129, %mul3A_133 : vector<896x128xf32>
    %get3A_135 = arith.constant 0 : index
    %get3A_136 = arith.constant 0 : index
    %get3A_137 = vector.load %arg8[%get3A_135, %get3A_136] : memref<1x128xf32, #tpu.memory_space<vmem>>, vector<1x128xf32>
    %mul3A_138 = vector.broadcast %get3A_137 : vector<1x128xf32> to vector<896x128xf32>
    %mul3A_139 = arith.mulf %mul3A_134, %mul3A_138 : vector<896x128xf32>
    %get3A_140 = arith.constant 0 : index
    %get3A_141 = arith.constant 0 : index
    %get3A_142 = vector.load %arg9[%get3A_140, %get3A_141] : memref<1x128xf32, #tpu.memory_space<vmem>>, vector<1x128xf32>
    %add3A_143 = vector.broadcast %get3A_142 : vector<1x128xf32> to vector<896x128xf32>
    %add3A_144 = arith.addf %mul3A_139, %add3A_143 : vector<896x128xf32>
    %tanh3A_145 = math.tanh %add3A_144 : vector<896x128xf32>
    %mul3A_146 = arith.mulf %logistic3A_109, %tanh3A_145 : vector<896x128xf32>
    %reshape3A_147 = vector.shape_cast %mul3A_146 : vector<896x128xf32> to vector<28x32x128xf32>
    %reshape3A_148 = vector.shape_cast %add3A_114 : vector<896x128xf32> to vector<28x32x128xf32>
    %iota3A = tpu.iota {dimensions = array<i32: 0>} : vector<28x1x1xi32>
    %le3A = vector.broadcast %arg0 : i32 to vector<28x1x1xi32>
    %le3A_149 = arith.cmpi sle, %iota3A, %le3A : vector<28x1x1xi32>
    %sub3A_150 = arith.constant 27 : i32
    %sub3A_151 = arith.subi %arg0, %sub3A_150 : i32
    %ge3A = vector.broadcast %sub3A_151 : i32 to vector<28x1x1xi32>
    %ge3A_152 = arith.cmpi sge, %iota3A, %ge3A : vector<28x1x1xi32>
    %and3A = arith.andi %le3A_149, %ge3A_152 : vector<28x1x1xi1>
    %get3A_153 = arith.constant 1 : index
    %get3A_154 = arith.constant 0 : index
    %get3A_155 = arith.constant 0 : index
    %get3A_156 = vector.load %arg12[%get3A_153, %get3A_154, %get3A_155] : memref<29x32x128xf32, #tpu.memory_space<vmem>>, vector<28x32x128xf32>
    %broadcast_in_dim3A_157 = vector.shape_cast %and3A : vector<28x1x1xi1> to vector<28x1x1xi1>
    %broadcast_in_dim3A_158 = vector.broadcast %broadcast_in_dim3A_157 : vector<28x1x1xi1> to vector<28x32x128xi1>
    %select_n3A = arith.select %broadcast_in_dim3A_158, %reshape3A_147, %get3A_156 : vector<28x32x128xi1>, vector<28x32x128xf32>
    %swap3A = arith.constant 1 : index
    %swap3A_159 = arith.constant 0 : index
    %swap3A_160 = arith.constant 0 : index
    %swap3A_161 = vector.load %arg12[%swap3A, %swap3A_159, %swap3A_160] : memref<29x32x128xf32, #tpu.memory_space<vmem>>, vector<28x32x128xf32>
    tpu.vector_store %arg12[%swap3A, %swap3A_159, %swap3A_160], %select_n3A {strides = array<i32>} : memref<29x32x128xf32, #tpu.memory_space<vmem>>, vector<28x32x128xf32>,
    %get3A_162 = arith.constant 1 : index
    %get3A_163 = arith.constant 0 : index
    %get3A_164 = arith.constant 0 : index
    %get3A_165 = vector.load %arg13[%get3A_162, %get3A_163, %get3A_164] : memref<29x32x128xf32, #tpu.memory_space<vmem>>, vector<28x32x128xf32>
    %broadcast_in_dim3A_166 = vector.shape_cast %and3A : vector<28x1x1xi1> to vector<28x1x1xi1>
    %broadcast_in_dim3A_167 = vector.broadcast %broadcast_in_dim3A_166 : vector<28x1x1xi1> to vector<28x32x128xi1>
    %select_n3A_168 = arith.select %broadcast_in_dim3A_167, %reshape3A_148, %get3A_165 : vector<28x32x128xi1>, vector<28x32x128xf32>
    %swap3A_169 = arith.constant 1 : index
    %swap3A_170 = arith.constant 0 : index
    %swap3A_171 = arith.constant 0 : index
    %swap3A_172 = vector.load %arg13[%swap3A_169, %swap3A_170, %swap3A_171] : memref<29x32x128xf32, #tpu.memory_space<vmem>>, vector<28x32x128xf32>
    tpu.vector_store %arg13[%swap3A_169, %swap3A_170, %swap3A_171], %select_n3A_168 {strides = array<i32>} : memref<29x32x128xf32, #tpu.memory_space<vmem>>, vector<28x32x128xf32>,
    %swap3A_173 = arith.constant 0 : index
    %swap3A_174 = arith.constant 0 : index
    %swap3A_175 = arith.constant 0 : index
    %swap3A_176 = arith.constant 0 : index
    %swap3A_177 = vector.load %arg11[%swap3A_173, %swap3A_174, %swap3A_175, %swap3A_176] : memref<1x28x32x128xf32, #tpu.memory_space<vmem>>, vector<1x28x32x128xf32>
    %swap3A_178 = vector.shape_cast %swap3A_177 : vector<1x28x32x128xf32> to vector<28x32x128xf32>
    %swap3A_179 = vector.shape_cast %reshape3A_147 : vector<28x32x128xf32> to vector<1x28x32x128xf32>
    tpu.vector_store %arg11[%swap3A_173, %swap3A_174, %swap3A_175, %swap3A_176], %swap3A_179 {strides = array<i32>} : memref<1x28x32x128xf32, #tpu.memory_space<vmem>>, vector<1x28x32x128xf32>,
    return
  }
  func.func @transform_0(%arg0: i32) -> (i32, i32, i32, i32) {
    %add3A = arith.constant 0 : i32
    %add3A_0 = arith.addi %arg0, %add3A : i32
    %c0_i32 = arith.constant 0 : i32
    %c0_i32_1 = arith.constant 0 : i32
    %c0_i32_2 = arith.constant 0 : i32
    %c0_i32_3 = arith.constant 0 : i32
    return %add3A_0, %c0_i32, %c0_i32_1, %c0_i32_2 : i32, i32, i32, i32
  }
  func.func @transform_1(%arg0: i32) -> (i32, i32, i32, i32) {
    %add3A = arith.constant 1 : i32
    %add3A_0 = arith.addi %arg0, %add3A : i32
    %c0_i32 = arith.constant 0 : i32
    %c0_i32_1 = arith.constant 0 : i32
    %c0_i32_2 = arith.constant 0 : i32
    %c0_i32_3 = arith.constant 0 : i32
    return %add3A_0, %c0_i32, %c0_i32_1, %c0_i32_2 : i32, i32, i32, i32
  }
  func.func @transform_2(%arg0: i32) -> (i32, i32, i32, i32) {
    %add3A = arith.constant 2 : i32
    %add3A_0 = arith.addi %arg0, %add3A : i32
    %c0_i32 = arith.constant 0 : i32
    %c0_i32_1 = arith.constant 0 : i32
    %c0_i32_2 = arith.constant 0 : i32
    %c0_i32_3 = arith.constant 0 : i32
    return %add3A_0, %c0_i32, %c0_i32_1, %c0_i32_2 : i32, i32, i32, i32
  }
  func.func @transform_3(%arg0: i32) -> (i32, i32) {
    %c0_i32 = arith.constant 0 : i32
    %c0_i32_0 = arith.constant 0 : i32
    %c0_i32_1 = arith.constant 0 : i32
    return %c0_i32, %c0_i32_0 : i32, i32
  }
  func.func @transform_4(%arg0: i32) -> (i32, i32) {
    %c0_i32 = arith.constant 0 : i32
    %c0_i32_0 = arith.constant 0 : i32
    %c0_i32_1 = arith.constant 0 : i32
    return %c0_i32, %c0_i32_0 : i32, i32
  }
  func.func @transform_5(%arg0: i32) -> (i32, i32) {
    %c0_i32 = arith.constant 0 : i32
    %c0_i32_0 = arith.constant 0 : i32
    %c0_i32_1 = arith.constant 0 : i32
    return %c0_i32, %c0_i32_0 : i32, i32
  }
  func.func @transform_6(%arg0: i32) -> (i32, i32) {
    %c0_i32 = arith.constant 0 : i32
    %c0_i32_0 = arith.constant 0 : i32
    %c0_i32_1 = arith.constant 0 : i32
    return %c0_i32, %c0_i32_0 : i32, i32
  }
  func.func @transform_7(%arg0: i32) -> (i32, i32) {
    %c0_i32 = arith.constant 0 : i32
    %c0_i32_0 = arith.constant 0 : i32
    %c0_i32_1 = arith.constant 0 : i32
    return %c0_i32, %c0_i32_0 : i32, i32
  }
  func.func @transform_8(%arg0: i32) -> (i32, i32) {
    %c0_i32 = arith.constant 0 : i32
    %c0_i32_0 = arith.constant 0 : i32
    %c0_i32_1 = arith.constant 0 : i32
    return %c0_i32, %c0_i32_0 : i32, i32
  }
  func.func @transform_9(%arg0: i32) -> (i32, i32) {
    %c0_i32 = arith.constant 0 : i32
    %c0_i32_0 = arith.constant 0 : i32
    %c0_i32_1 = arith.constant 0 : i32
    return %c0_i32, %c0_i32_0 : i32, i32
  }
  func.func @transform_10(%arg0: i32) -> (i32, i32, i32, i32) {
    %c0_i32 = arith.constant 0 : i32
    %c0_i32_0 = arith.constant 0 : i32
    %c0_i32_1 = arith.constant 0 : i32
    %c0_i32_2 = arith.constant 0 : i32
    return %arg0, %c0_i32, %c0_i32_0, %c0_i32_1 : i32, i32, i32, i32
  }
}

module attributes {stable_mosaic.version = 14 : i64} {
  func.func @_head_kernel(%arg0: i32, %arg1: memref<3136x128xf32, #tpu.memory_space<vmem>>, %arg2: memref<128x256xf32, #tpu.memory_space<vmem>>, %arg3: memref<1x256xf32, #tpu.memory_space<vmem>>, %arg4: memref<3136x256xf32, #tpu.memory_space<vmem>>) attributes {dimension_semantics = [#tpu.dimension_semantics<arbitrary>], iteration_bounds = array<i64: 8>, scalar_prefetch = 0 : i64, scratch_operands = 0 : i64, tpu.core_type = #tpu.core_type<tc>, window_params = [{transform_indices = @transform_0, window_bounds = array<i64: 3136, 128>}, {pipeline_mode = #tpu.pipeline_mode<synchronous>, transform_indices = @transform_1, window_bounds = array<i64: 128, 256>}, {pipeline_mode = #tpu.pipeline_mode<synchronous>, transform_indices = @transform_2, window_bounds = array<i64: 1, 256>}, {transform_indices = @transform_3, window_bounds = array<i64: 3136, 256>}]} {
    %get3A = arith.constant 0 : index
    %get3A_0 = arith.constant 0 : index
    %get3A_1 = vector.load %arg1[%get3A, %get3A_0] : memref<3136x128xf32, #tpu.memory_space<vmem>>, vector<3136x128xf32>
    %get3A_2 = arith.constant 0 : index
    %get3A_3 = arith.constant 0 : index
    %get3A_4 = vector.load %arg2[%get3A_2, %get3A_3] : memref<128x256xf32, #tpu.memory_space<vmem>>, vector<128x256xf32>
    %dot_general3A = arith.constant dense<0.000000e+00> : vector<3136x256xf32>
    %dot_general3A_5 = tpu.matmul %get3A_1, %get3A_4, %dot_general3A {dimension_numbers = #tpu.dot_dimension_numbers<[1], [0], [0], [1], [0, 0, 1, 1], [], []>, transpose_lhs_hint = false} : vector<3136x128xf32>, vector<128x256xf32>, vector<3136x256xf32> -> vector<3136x256xf32>
    %get3A_6 = arith.constant 0 : index
    %get3A_7 = arith.constant 0 : index
    %get3A_8 = vector.load %arg3[%get3A_6, %get3A_7] : memref<1x256xf32, #tpu.memory_space<vmem>>, vector<1x256xf32>
    %add3A = vector.broadcast %get3A_8 : vector<1x256xf32> to vector<3136x256xf32>
    %add3A_9 = arith.addf %dot_general3A_5, %add3A : vector<3136x256xf32>
    %swap3A = arith.constant 0 : index
    %swap3A_10 = arith.constant 0 : index
    %swap3A_11 = vector.load %arg4[%swap3A, %swap3A_10] : memref<3136x256xf32, #tpu.memory_space<vmem>>, vector<3136x256xf32>
    tpu.vector_store %arg4[%swap3A, %swap3A_10], %add3A_9 {strides = array<i32>} : memref<3136x256xf32, #tpu.memory_space<vmem>>, vector<3136x256xf32>,
    return
  }
  func.func @transform_0(%arg0: i32) -> (i32, i32) {
    %c0_i32 = arith.constant 0 : i32
    %c0_i32_0 = arith.constant 0 : i32
    return %arg0, %c0_i32 : i32, i32
  }
  func.func @transform_1(%arg0: i32) -> (i32, i32) {
    %c0_i32 = arith.constant 0 : i32
    %c0_i32_0 = arith.constant 0 : i32
    %c0_i32_1 = arith.constant 0 : i32
    return %c0_i32, %c0_i32_0 : i32, i32
  }
  func.func @transform_2(%arg0: i32) -> (i32, i32) {
    %c0_i32 = arith.constant 0 : i32
    %c0_i32_0 = arith.constant 0 : i32
    %c0_i32_1 = arith.constant 0 : i32
    return %c0_i32, %c0_i32_0 : i32, i32
  }
  func.func @transform_3(%arg0: i32) -> (i32, i32) {
    %c0_i32 = arith.constant 0 : i32
    %c0_i32_0 = arith.constant 0 : i32
    return %arg0, %c0_i32 : i32, i32
  }
}

</mosaic_0001>

<sc_bundles>
// kernel: kernel.5.cloned.1.call-start
scs
__scs_entry_jumppad:
0x0: {  	(pc) =	sbr.rel $0x88, $3  }
0x1: {  	(tag) =	ssettag $0x0;
	lr =	simm.s32 $0x1  }
0x2: {  	[smem:$0x3F98] =	sst lr;
	_ =	strace $0xD0000000  }
0x3: {  	_ = 	snop  }
0x4: {  	_ = 	snop  }
0x5: {  	_ = 	snop  }
0x6: {  	_ = 	snop  }
0x7: {  	_ = 	snop  }
__scs_overlays_trampoline_lowered:
0x8: {  	[smem:$0x3FA7] =	sst s0  }
0x9: {  	[smem:$0x3FA8] =	sst s1  }
0xa: {  	[smem:$0x3FA9] =	sst s2  }
0xb: {  	[smem:$0x3FAA] =	sst s3  }
0xc: {  	[smem:$0x3FAB] =	sst s4  }
0xd: {  	[smem:$0x3FAC] =	sst s5  }
0xe: {  	[smem:$0x3FAD] =	sst s6  }
0xf: {  	[smem:$0x3FAE] =	sst s7  }
0x10: {  	[smem:$0x3FAF] =	sst s8  }
0x11: {  	[smem:$0x3FB0] =	sst s9;
	s0 =	simm.s32 @!p0 $0x0  }
0x12: {  	s1 =	sld [smem:$0x3F96];
	s0 =	simm.s32 @p0 $0x1  }
0x13: {  	[smem:$0x3FB1] =	sst s0;
	s0 =	simm.s32 @!p1 $0x0  }
0x14: {  	s2 =	sld [smem:$0x3F95];
	s0 =	simm.s32 @p1 $0x1  }
0x15: {  	[smem:$0x3FB2] =	sst s0;
	s0 =	simm.s32 @!p2 $0x0  }
0x16: {  	s3 =	sld [smem:$0x3FDB];
	s0 =	simm.s32 @p2 $0x1  }
0x17: {  	s4 =	simm.s32 $0x1BF5;
	[smem:$0x3FB4] =	sst s0  }
0x18: {  	s0 =	sld [smem:$0x3F97];
	_ =	swait.ge [sflag:s4], $0x0  }
0x19: {  	s7 =	sld [smem:$0x3F98]  }
0x1a: {  	s8 =	sadd.s32 $0xFFFFE003, lr  }
0x1b: {  	s9 =	sadd.s32 $0xFFFFFEF7, lr;
	s5 =	simm.s32 $0xFFFFFFFF;
	p2 =	slt.u32 s8, $0xFFFFF086  }
0x1c: {  	p1 =	slt.u32 s9, $0xF7A;
	s5 =	simm.s32 @!p2 $0x0  }
0x1d: {  	s5 =	simm.s32 @p1 $0x1;
	p0 =	seq.s32 s7, s2  }
0x1e: {  	s7 =	smul.u32 @!p0 $0xF7A, s2;
	p2 =	seq.s32 @!p0 s5, $0x0  }
0x1f: {  	s9 =	smul.u32 $0xF7A, s1;
	s8 =	simm.s32 @!p0 $0x1BF5;
	p2 =	por !p2, p0  }
0x20: {  	[sflag:s8] =	ssyncset.s32 @!p0 $0xFFFFF086;
	s6 =	sadd.s32 @!p0 s3, s7;
	s7 =	simm.s32 @!p0 $0x108  }
0x21: {  	s3 =	sadd.s32 s3, s9;
	s6 =	sadd.s32 @!p0 $0x88, s6;
	s7 =	simm.s32 @p2 $0x1082  }
0x22: {  	[simem:s7], [sflag:s8] =	dma.local @!p0 [hbm:s6], $0xF7A  }
0x23: {  	s9 =	sor.u32 $0xD0000000, s2;
	s6 =	simm.s32 $0x108;
	_ =	swait.ge @!p0 [sflag:s8], $0x0  }
0x24: {  	s3 =	sadd.s32 $0x88, s3;
	s6 =	simm.s32 @!p1 $0x1082;
	[sflag:s4] =	ssyncset.s32 $0xFFFFF086  }
0x25: {  	[simem:s6], [sflag:s4] =	dma.local [hbm:s3], $0xF7A  }
0x26: {  	[smem:$0x3F98] =	sst s1;
	(tag) =	ssettag s2;
	_ =	strace s9  }
0x27: {  	s1 =	sld [smem:$0x3FA8]  }
0x28: {  	s2 =	sld [smem:$0x3FA9]  }
0x29: {  	s4 =	sld [smem:$0x3FAB]  }
0x2a: {  	p0 =	seq.s32 s5, $0x0;
	s5 =	sld [smem:$0x3FAC]  }
0x2b: {  	s6 =	sld [smem:$0x3FAD]  }
0x2c: {  	s7 =	sld [smem:$0x3FAE]  }
0x2d: {  	s3 =	simm.s32 $0x108;
	s8 =	sld [smem:$0x3FAF]  }
0x2e: {  	s3 =	simm.s32 @!p0 $0x1082;
	s9 =	sld [smem:$0x3FB0]  }
0x2f: {  	lr =	sadd.s32 s0, s3;
	s0 =	sld [smem:$0x3FA7]  }
0x30: {  	s3 =	sld [smem:$0x3FAA]  }
0x31: {  	[smem:$0x3FB3] =	sst s10  }
0x32: {  	s10 =	sld [smem:$0x3FB1];
	_ =	sdelay $0x3  }
0x33: {  	p0 =	seq.s32 s10, $0x1;
	s10 =	sld [smem:$0x3FB3];
	_ =	sdelay $0x3  }
0x34: {  	[smem:$0x3FB3] =	sst s10  }
0x35: {  	s10 =	sld [smem:$0x3FB2];
	_ =	sdelay $0x3  }
0x36: {  	p1 =	seq.s32 s10, $0x1;
	s10 =	sld [smem:$0x3FB3];
	_ =	sdelay $0x3  }
0x37: {  	[smem:$0x3FB3] =	sst s10  }
0x38: {  	s10 =	sld [smem:$0x3FB4]  }
0x39: {  	_ = 	snop;
	(pc) =	sbr.ind lr, $3  }
0x3a: {  	_ = 	snop  }
0x3b: {  	_ = 	snop  }
0x3c: {  	p2 =	seq.s32 s10, $0x1;
	s10 =	sld [smem:$0x3FB3]  }
0x3d: {  	_ =	shalt  }
0x3e: {  	_ =	shalt  }
0x3f: {  	_ =	shalt  }
0x40: {  	_ =	shalt  }
0x41: {  	_ =	shalt  }
0x42: {  	_ =	shalt  }
0x43: {  	_ =	shalt  }
0x44: {  	_ =	shalt  }
0x45: {  	_ =	shalt  }
0x46: {  	_ =	shalt  }
0x47: {  	_ =	shalt  }
0x48: {  	_ =	shalt  }
0x49: {  	_ =	shalt  }
0x4a: {  	_ =	shalt  }
0x4b: {  	_ =	shalt  }
0x4c: {  	_ =	shalt  }
0x4d: {  	_ =	shalt  }
0x4e: {  	_ =	shalt  }
0x4f: {  	_ =	shalt  }
0x50: {  	_ =	shalt  }
0x51: {  	_ =	shalt  }
0x52: {  	_ =	shalt  }
0x53: {  	_ =	shalt  }
0x54: {  	_ =	shalt  }
0x55: {  	_ =	shalt  }
0x56: {  	_ =	shalt  }
0x57: {  	_ =	shalt  }
0x58: {  	_ =	shalt  }
0x59: {  	_ =	shalt  }
0x5a: {  	_ =	shalt  }
0x5b: {  	_ =	shalt  }
0x5c: {  	_ =	shalt  }
0x5d: {  	_ =	shalt  }
0x5e: {  	_ =	shalt  }
0x5f: {  	_ =	shalt  }
0x60: {  	_ =	shalt  }
0x61: {  	_ =	shalt  }
0x62: {  	_ =	shalt  }
0x63: {  	_ =	shalt  }
0x64: {  	_ =	shalt  }
0x65: {  	_ =	shalt  }
0x66: {  	_ =	shalt  }
0x67: {  	_ =	shalt  }
0x68: {  	_ =	shalt  }
0x69: {  	_ =	shalt  }
0x6a: {  	_ =	shalt  }
0x6b: {  	_ =	shalt  }
0x6c: {  	_ =	shalt  }
0x6d: {  	_ =	shalt  }
0x6e: {  	_ =	shalt  }
0x6f: {  	_ =	shalt  }
0x70: {  	_ =	shalt  }
0x71: {  	_ =	shalt  }
0x72: {  	_ =	shalt  }
0x73: {  	_ =	shalt  }
0x74: {  	_ =	shalt  }
0x75: {  	_ =	shalt  }
0x76: {  	_ =	shalt  }
0x77: {  	_ =	shalt  }
0x78: {  	_ =	shalt  }
0x79: {  	_ =	shalt  }
0x7a: {  	_ =	shalt  }
0x7b: {  	_ =	shalt  }
0x7c: {  	_ =	shalt  }
0x7d: {  	_ =	shalt  }
0x7e: {  	_ =	shalt  }
0x7f: {  	_ =	shalt  }
0x80: {  	_ =	shalt  }
0x81: {  	_ =	shalt  }
0x82: {  	_ =	shalt  }
0x83: {  	_ =	shalt  }
0x84: {  	_ =	shalt  }
0x85: {  	_ =	shalt  }
0x86: {  	_ =	shalt  }
0x87: {  	_ =	shalt  }
.Lfunc_end0:
.L_simem_size_0:
called_computation_lowered:
.L_overlay_start_0:
0x88: {  	s2 =	sld [smem:$0x3FD9]  }
0x89: {  	s3 =	sld [smem:$0x3FFE];
	_ =	sdelay $0x1  }
0x8a: {  	s1 =	srdreg.scid  }
0x8b: {  	s0 =	sand.u32 $0x1, s1  }
0x8c: {  	s17 =	sshll.u32 s0, $0xA;
	s2 =	sadd.s32 s3, s2  }
0x8d: {  	s2 =	sadd.s32 s2, s17  }
0x8e: {  	[smem:$0x3FBF] =	sst s2  }
0x8f: {  	_ = 	snop  }
0x90: {  	s2 =	sld [smem:$0x3FD0];
	(tm) =	ssettm $0x1  }
0x91: {  	s18 =	sld [smem:$0x3FFB];
	_ =	sdelay $0x3  }
0x92: {  	_ =	strace s18  }
0x93: {  	s3 =	sld [smem:$0x3FFC];
	_ =	sdelay $0x3  }
0x94: {  	_ =	strace s3  }
0x95: {  	s3 =	sld [smem:$0x3FFD];
	_ =	sdelay $0x3  }
0x96: {  	_ =	strace s3  }
0x97: {  	_ =	strace $0x8FFFFFFF  }
0x98: {  	s19 =	sld [smem:$0x3FDB];
	_ =	sdelay $0x1  }
0x99: {  	s4 =	simm.s32 $_scs_section_size  }
0x9a: {  	s5 =	simm.s32 $_size__tile_overlayer_lowered;
	s6 =	simm.s32 $_tile_overlayer_lowered  }
0x9b: {  	s22 =	simm.s32 $0x1BFF;
	s21 =	sshll.u32 s6, $0x1;
	s3 =	sadd.s32 s4, s19  }
0x9c: {  	s7 =	simm.s32 $0x0;
	s20 =	sshll.u32 s5, $0x1;
	s5 =	sadd.s32 s21, s3  }
0x9d: {  	[timem:s7], [sflag:s22] =	dma.local [hbm:s5], s20  }
0x9e: {  	_ =	swait.ge [sflag:s22], s20  }
0x9f: {  	s4 =	ssub.s32 $0x0, s20;
	[sflag:s22] =	ssyncset.done $0x0  }
0xa0: {  	[sflag:s22] =	ssyncadd.s32 s4;
	_ =	sdelay $0x1  }
0xa1: {  	s23 =	simm.s32 $0x1B8B  }
0xa2: {  	_ =	swait.ge [sflag:s23], $0x1  }
0xa3: {  	[sflag:s23] =	ssyncset.done $0x0  }
0xa4: {  	s25 =	simm.s32 $0x1B8E;
	s24 =	sld [smem:$0x3FFE];
	[sflag:s23] =	ssyncadd.s32 $0xFFFFFFFF  }
0xa5: {  	s26 =	simm.s32 $execute0_lowered;
	[smem:$0x3FD2] =	sst s25  }
0xa6: {  	s5 =	sshll.u32 s26, $0x1;
	_ =	strace $0x80000046;
	[dreg:$0x1] =	wrdreg $0xFFFFFFFF  }
0xa7: {  	s28 =	simm.s32 $_size_execute0_lowered;
	s3 =	sadd.s32 s3, s5;
	[dreg:$0x0] =	wrdreg $0x0  }
0xa8: {  	s5 =	sshll.u32 s28, $0x1;
	[dreg:$0x2] =	wrdreg s3  }
0xa9: {  	[dreg:$0x3] =	wrdreg s5  }
0xaa: {  	[dreg:$0x4] =	wrdreg $0xC0  }
0xab: {  	_ =	task [dreg:s7], $0x5FFFF  }
0xac: {  	[dreg:$0x1] =	wrdreg $0xFFFFFFFF  }
0xad: {  	[dreg:$0x0] =	wrdreg $0x60  }
0xae: {  	[dreg:$0x2] =	wrdreg s2  }
0xaf: {  	[dreg:$0x3] =	wrdreg s24  }
0xb0: {  	[dreg:$0x4] =	wrdreg $0x9  }
0xb1: {  	_ =	task.clear_ibuf [dreg:s7], $0x5FFFF;
	_ =	strace $0x90000046  }
0xb2: {  	s29 =	simm.s32 $0x9;
	_ =	strace $0x80000048  }
0xb3: {  	_ =	swait.ge [sflag:s29], $0x1  }
0xb4: {  	[sflag:s29] =	ssyncadd.s32 $0xFFFFFFFF  }
0xb5: {  	_ =	strace $0x90000048  }
0xb6: {  	_ =	sfence  }
0xb7: {  	s30 =	sld [smem:$0x0];
	_ =	sdelay $0x2  }
0xb8: {  	s31 =	sshll.u32 s1, $0xD;
	s1 =	sshrl.u32 s1, $0x2  }
0xb9: {  	s3 =	sand.u32 $0x4000, s31;
	s1 =	sadd.s32 s1, s30  }
0xba: {  	s0 =	sor.u32 s3, s0;
	s1 =	sshll.u32 s1, $0x11  }
0xbb: {  	s0 =	sor.u32 s1, s0  }
0xbc: {  	s0 =	sadd.s32 $0x8F2B, s0  }
0xbd: {  	[sflag:s0] =	ssyncadd.remote.s32 $0x1  }
0xbe: {  	_ =	sfence.sel $0xFFFF  }
0xbf: {  	[dreg:$0x0] =	wrdreg $0xFFFFFFFF;
	(pc) =	sbr.abs _section_cstart, $3  }
0xc0: {  	[dreg:$0x1] =	wrdreg $0xFFFFFFFF  }
0xc1: {  	_ =	task.clear_ibuf [dreg:s7], $0x2FFFF;
	_ =	strace $0x9FFFFFFF  }
0xc2: {  	(tm) =	ssettm $0x7FFFFFFF  }
0xc3: {  	_ =	shalt  }
tec
execute0_lowered:
.L_overlay_start_1:
0x0: {  	(tag) =	ssettag $0x1  }
0x1: {  	s1 =	srdreg.scid;
	s0 =	stileid.u32  }
0x2: {  	s29 =	sand.u32 $0x1, s1;
	s31 =	sshll.u32 s0, $0x1  }
0x3: {  	s11 =	sor.u32 s29, s31  }
0x4: {  	s2 =	rddreg [dreg:$0x0];
	s4 =	smul.u32 $0x62, s11  }
0x5: {  	s10 =	rddreg [dreg:$0x1];
	s3 =	simm.s32 $0x0  }
0x6: {  	s5 =	simm.s32 $0x7;
	[smem:$0x7FF] =	sst s3;
	s4 =	sadd.s32 s4, s10  }
0x7: {  	s1 =	rddreg [dreg:$0x2];
	_ =	strace $0x80000047;
	s4 =	sadd.s32 $0x1800, s4  }
0x8: {  	[tilespmem:s3], [sflag:$0x7] =	stream.linear.gather [hbm4b:s4+s3], $0x310, $0x38;
	[tilespmem:$0xAB80] =	vst v63  }
0x9: {  	_ =	swait.ge [sflag:s5], $0x310  }
0xa: {  	[sflag:s5] =	ssyncset.done $0x0  }
0xb: {  	s6 =	simm.s32 $0x70;
	s7 =	simm.s32 $0x380;
	[sflag:s5] =	ssyncadd.s32 $0xFFFFFCF0  }
0xc: {  	[tilespmem:s7], [sflag:$0x1] =	stream.indirect.gather [hbm4b:s2+s6], $0x80, s3, s6, $0xb8;
	[tilespmem:$0xAB80] =	vst v63  }
0xd: {  	s8 =	simm.s32 $0x3B80;
	s9 =	simm.s32 $0x1  }
0xe: {  	[tilespmem:s8], [sflag:$0x2] =	stream.indirect.gather [hbm4b:s2+s6], $0x80, s6, s6, $0xb8;
	[tilespmem:$0xAB80] =	vst v63  }
0xf: {  	s12 =	smul.u32 $0x3100, s11;
	_ =	swait.ge [sflag:s9], $0x3800  }
0x10: {  	s14 =	sadd.s32 $0x2600, s10;
	[sflag:s9] =	ssyncset.done $0x0  }
0x11: {  	s13 =	simm.s32 $0x2;
	s10 =	sadd.s32 s14, s12;
	[sflag:s9] =	ssyncadd.s32 $0xFFFFC800  }
0x12: {  	[hbm4b:s10+s3] =	stream.linear.scatter [tilespmem:s7], [sflag:$0x4], $0x3800, $0x38;
	[tilespmem:$0xAB80] =	vst v63  }
0x13: {  	s15 =	smul.u32 $0x18800, s11;
	s11 =	simm.s32 $0xE0;
	s12 =	simm.s32 $0x7380  }
0x14: {  	[tilespmem:s12], [sflag:$0x3] =	stream.indirect.gather [hbm4b:s2+s6], $0x80, s11, s6, $0xb8;
	[tilespmem:$0xAB80] =	vst v63  }
0x15: {  	s15 =	sshrl.u32 s15, $0x3;
	_ =	swait.ge [sflag:s13], $0x3800  }
0x16: {  	s28 =	sadd.s32 s14, s15;
	[sflag:s13] =	ssyncset.done $0x0  }
0x17: {  	s14 =	simm.s32 $0x4;
	s15 =	sadd.s32 $0x700, s28;
	[sflag:s13] =	ssyncadd.s32 $0xFFFFC800  }
0x18: {  	[hbm4b:s15+s3] =	stream.linear.scatter [tilespmem:s8], [sflag:$0x5], $0x3800, $0x38;
	[tilespmem:$0xAB80] =	vst v63  }
0x19: {  	_ =	swait.ge [sflag:s14], $0x3800  }
0x1a: {  	[sflag:s14] =	ssyncset.done $0x0  }
0x1b: {  	s16 =	simm.s32 $0x150;
	s17 =	simm.s32 $0x3;
	[sflag:s14] =	ssyncadd.s32 $0xFFFFC800  }
0x1c: {  	[tilespmem:s7], [sflag:$0x1] =	stream.indirect.gather [hbm4b:s2+s6], $0x80, s16, s6, $0xb8;
	[tilespmem:$0xAB80] =	vst v63  }
0x1d: {  	_ =	swait.ge [sflag:s17], $0x3800  }
0x1e: {  	[sflag:s17] =	ssyncset.done $0x0  }
0x1f: {  	s19 =	simm.s32 $0x5;
	s18 =	sadd.s32 $0xE00, s28;
	[sflag:s17] =	ssyncadd.s32 $0xFFFFC800  }
0x20: {  	[hbm4b:s18+s3] =	stream.linear.scatter [tilespmem:s12], [sflag:$0x6], $0x3800, $0x38;
	[tilespmem:$0xAB80] =	vst v63  }
0x21: {  	_ =	swait.ge [sflag:s19], $0x3800  }
0x22: {  	[sflag:s19] =	ssyncset.done $0x0  }
0x23: {  	s20 =	simm.s32 $0x1C0;
	[sflag:s19] =	ssyncadd.s32 $0xFFFFC800  }
0x24: {  	[tilespmem:s8], [sflag:$0x2] =	stream.indirect.gather [hbm4b:s2+s6], $0x80, s20, s6, $0xb8;
	[tilespmem:$0xAB80] =	vst v63  }
0x25: {  	_ =	swait.ge [sflag:s9], $0x3800  }
0x26: {  	[sflag:s9] =	ssyncset.done $0x0  }
0x27: {  	s22 =	simm.s32 $0x6;
	s21 =	sadd.s32 $0x1500, s28;
	[sflag:s9] =	ssyncadd.s32 $0xFFFFC800  }
0x28: {  	[hbm4b:s21+s3] =	stream.linear.scatter [tilespmem:s7], [sflag:$0x4], $0x3800, $0x38;
	[tilespmem:$0xAB80] =	vst v63  }
0x29: {  	_ =	swait.ge [sflag:s22], $0x3800  }
0x2a: {  	[sflag:s22] =	ssyncset.done $0x0  }
0x2b: {  	s23 =	simm.s32 $0x230;
	[sflag:s22] =	ssyncadd.s32 $0xFFFFC800  }
0x2c: {  	[tilespmem:s12], [sflag:$0x3] =	stream.indirect.gather [hbm4b:s2+s6], $0x80, s23, s6, $0xb8;
	[tilespmem:$0xAB80] =	vst v63  }
0x2d: {  	_ =	swait.ge [sflag:s13], $0x3800  }
0x2e: {  	[sflag:s13] =	ssyncset.done $0x0  }
0x2f: {  	s24 =	sadd.s32 $0x1C00, s28;
	[sflag:s13] =	ssyncadd.s32 $0xFFFFC800  }
0x30: {  	[hbm4b:s24+s3] =	stream.linear.scatter [tilespmem:s8], [sflag:$0x5], $0x3800, $0x38;
	[tilespmem:$0xAB80] =	vst v63  }
0x31: {  	_ =	swait.ge [sflag:s14], $0x3800  }
0x32: {  	[sflag:s14] =	ssyncset.done $0x0  }
0x33: {  	s25 =	simm.s32 $0x2A0;
	[sflag:s14] =	ssyncadd.s32 $0xFFFFC800  }
0x34: {  	[tilespmem:s7], [sflag:$0x1] =	stream.indirect.gather [hbm4b:s2+s6], $0x80, s25, s6, $0xb8;
	[tilespmem:$0xAB80] =	vst v63  }
0x35: {  	_ =	swait.ge [sflag:s17], $0x3800  }
0x36: {  	[sflag:s17] =	ssyncset.done $0x0  }
0x37: {  	s26 =	sadd.s32 $0x2300, s28;
	[sflag:s17] =	ssyncadd.s32 $0xFFFFC800  }
0x38: {  	[hbm4b:s26+s3] =	stream.linear.scatter [tilespmem:s12], [sflag:$0x6], $0x3800, $0x38;
	[tilespmem:$0xAB80] =	vst v63  }
0x39: {  	_ =	swait.ge [sflag:s9], $0x3800  }
0x3a: {  	s29 =	ssub.s32 $0x2, s29;
	[sflag:s9] =	ssyncset.done $0x0  }
0x3b: {  	s30 =	sshrl.u32 s29, $0x1;
	s28 =	sadd.s32 $0x2A00, s28;
	[sflag:s9] =	ssyncadd.s32 $0xFFFFC800  }
0x3c: {  	[hbm4b:s28+s3] =	stream.linear.scatter [tilespmem:s7], [sflag:$0x4], $0x3800, $0x38;
	[tilespmem:$0xAB80] =	vst v63  }
0x3d: {  	s29 =	ssub.s32 s29, s30;
	_ =	swait.ge [sflag:s19], $0x3800  }
0x3e: {  	s29 =	smax.u32 s29, $0x1;
	[sflag:s19] =	ssyncset.done $0x0  }
0x3f: {  	p0 =	sne.s32 s29, $0x1;
	[sflag:s19] =	ssyncadd.s32 $0xFFFFC800  }
.Ltmp0:
0x40: {  	_ =	swait.ge [sflag:s22], $0x3800;
	(pc) =	sbr.rel @!p0 .LBB2_2-.Ltmp0, $4  }
0x41: {  	[sflag:s22] =	ssyncset.done $0x0  }
0x42: {  	[sflag:s22] =	ssyncadd.s32 $0xFFFFC800  }
0x43: {  	_ =	swait.ge [sflag:s14], $0x3800  }
0x44: {  	s29 =	sadd.s32 $0xFFFFFFFF, s29;
	[sflag:s14] =	ssyncset.done $0x0  }
.LBB2_1:
0x45: {  	p0 =	sne.s32 s29, $0x1;
	s29 =	sadd.s32 $0xFFFFFFFF, s29;
	[sflag:s14] =	ssyncadd.s32 $0xFFFFC800  }
0x46: {  	[tilespmem:s3], [sflag:$0x7] =	stream.linear.gather [hbm4b:s4+s3], $0x310, $0x38;
	[tilespmem:$0xAB80] =	vst v63  }
0x47: {  	_ =	swait.ge [sflag:s5], $0x310  }
0x48: {  	[sflag:s5] =	ssyncset.done $0x0  }
0x49: {  	[sflag:s5] =	ssyncadd.s32 $0xFFFFFCF0  }
0x4a: {  	[tilespmem:s7], [sflag:$0x1] =	stream.indirect.gather [hbm4b:s2+s6], $0x80, s3, s6, $0xb8;
	[tilespmem:$0xAB80] =	vst v63  }
0x4b: {  	_ = 	snop  }
0x4c: {  	[tilespmem:s8], [sflag:$0x2] =	stream.indirect.gather [hbm4b:s2+s6], $0x80, s6, s6, $0xb8;
	[tilespmem:$0xAB80] =	vst v63  }
0x4d: {  	_ =	swait.ge [sflag:s9], $0x3800  }
0x4e: {  	[sflag:s9] =	ssyncset.done $0x0  }
0x4f: {  	[sflag:s9] =	ssyncadd.s32 $0xFFFFC800  }
0x50: {  	[hbm4b:s10+s3] =	stream.linear.scatter [tilespmem:s7], [sflag:$0x4], $0x3800, $0x38;
	[tilespmem:$0xAB80] =	vst v63  }
0x51: {  	_ = 	snop  }
0x52: {  	[tilespmem:s12], [sflag:$0x3] =	stream.indirect.gather [hbm4b:s2+s6], $0x80, s11, s6, $0xb8;
	[tilespmem:$0xAB80] =	vst v63  }
0x53: {  	_ =	swait.ge [sflag:s13], $0x3800  }
0x54: {  	[sflag:s13] =	ssyncset.done $0x0  }
0x55: {  	[sflag:s13] =	ssyncadd.s32 $0xFFFFC800  }
0x56: {  	[hbm4b:s15+s3] =	stream.linear.scatter [tilespmem:s8], [sflag:$0x5], $0x3800, $0x38;
	[tilespmem:$0xAB80] =	vst v63  }
0x57: {  	_ =	swait.ge [sflag:s14], $0x3800  }
0x58: {  	[sflag:s14] =	ssyncset.done $0x0  }
0x59: {  	[sflag:s14] =	ssyncadd.s32 $0xFFFFC800  }
0x5a: {  	[tilespmem:s7], [sflag:$0x1] =	stream.indirect.gather [hbm4b:s2+s6], $0x80, s16, s6, $0xb8;
	[tilespmem:$0xAB80] =	vst v63  }
0x5b: {  	_ =	swait.ge [sflag:s17], $0x3800  }
0x5c: {  	[sflag:s17] =	ssyncset.done $0x0  }
0x5d: {  	[sflag:s17] =	ssyncadd.s32 $0xFFFFC800  }
0x5e: {  	[hbm4b:s18+s3] =	stream.linear.scatter [tilespmem:s12], [sflag:$0x6], $0x3800, $0x38;
	[tilespmem:$0xAB80] =	vst v63  }
0x5f: {  	_ =	swait.ge [sflag:s19], $0x3800  }
0x60: {  	[sflag:s19] =	ssyncset.done $0x0  }
0x61: {  	[sflag:s19] =	ssyncadd.s32 $0xFFFFC800  }
0x62: {  	[tilespmem:s8], [sflag:$0x2] =	stream.indirect.gather [hbm4b:s2+s6], $0x80, s20, s6, $0xb8;
	[tilespmem:$0xAB80] =	vst v63  }
0x63: {  	_ =	swait.ge [sflag:s9], $0x3800  }
0x64: {  	[sflag:s9] =	ssyncset.done $0x0  }
0x65: {  	[sflag:s9] =	ssyncadd.s32 $0xFFFFC800  }
0x66: {  	[hbm4b:s21+s3] =	stream.linear.scatter [tilespmem:s7], [sflag:$0x4], $0x3800, $0x38;
	[tilespmem:$0xAB80] =	vst v63  }
0x67: {  	_ =	swait.ge [sflag:s22], $0x3800  }
0x68: {  	[sflag:s22] =	ssyncset.done $0x0  }
0x69: {  	[sflag:s22] =	ssyncadd.s32 $0xFFFFC800  }
0x6a: {  	[tilespmem:s12], [sflag:$0x3] =	stream.indirect.gather [hbm4b:s2+s6], $0x80, s23, s6, $0xb8;
	[tilespmem:$0xAB80] =	vst v63  }
0x6b: {  	_ =	swait.ge [sflag:s13], $0x3800  }
0x6c: {  	[sflag:s13] =	ssyncset.done $0x0  }
0x6d: {  	[sflag:s13] =	ssyncadd.s32 $0xFFFFC800  }
0x6e: {  	[hbm4b:s24+s3] =	stream.linear.scatter [tilespmem:s8], [sflag:$0x5], $0x3800, $0x38;
	[tilespmem:$0xAB80] =	vst v63  }
0x6f: {  	_ =	swait.ge [sflag:s14], $0x3800  }
0x70: {  	[sflag:s14] =	ssyncset.done $0x0  }
0x71: {  	[sflag:s14] =	ssyncadd.s32 $0xFFFFC800  }
0x72: {  	[tilespmem:s7], [sflag:$0x1] =	stream.indirect.gather [hbm4b:s2+s6], $0x80, s25, s6, $0xb8;
	[tilespmem:$0xAB80] =	vst v63  }
0x73: {  	_ =	swait.ge [sflag:s17], $0x3800  }
0x74: {  	[sflag:s17] =	ssyncset.done $0x0  }
0x75: {  	[sflag:s17] =	ssyncadd.s32 $0xFFFFC800  }
0x76: {  	[hbm4b:s26+s3] =	stream.linear.scatter [tilespmem:s12], [sflag:$0x6], $0x3800, $0x38;
	[tilespmem:$0xAB80] =	vst v63  }
0x77: {  	_ =	swait.ge [sflag:s9], $0x3800  }
0x78: {  	[sflag:s9] =	ssyncset.done $0x0  }
0x79: {  	[sflag:s9] =	ssyncadd.s32 $0xFFFFC800  }
0x7a: {  	[hbm4b:s28+s3] =	stream.linear.scatter [tilespmem:s7], [sflag:$0x4], $0x3800, $0x38;
	[tilespmem:$0xAB80] =	vst v63  }
0x7b: {  	_ =	swait.ge [sflag:s19], $0x3800  }
0x7c: {  	[sflag:s19] =	ssyncset.done $0x0  }
0x7d: {  	[sflag:s19] =	ssyncadd.s32 $0xFFFFC800  }
.Ltmp1:
0x7e: {  	_ =	swait.ge [sflag:s22], $0x3800;
	(pc) =	sbr.rel @p0 .LBB2_1-.Ltmp1, $4  }
0x7f: {  	[sflag:s22] =	ssyncset.done $0x0  }
0x80: {  	[sflag:s22] =	ssyncadd.s32 $0xFFFFC800  }
0x81: {  	_ =	swait.ge [sflag:s14], $0x3800  }
0x82: {  	[sflag:s14] =	ssyncset.done $0x0  }
.LBB2_2:
0x83: {  	[sflag:s14] =	ssyncadd.s32 $0xFFFFC800  }
0x84: {  	_ =	sfence.sel $0x180000  }
0x85: {  	[bflag:$0x0] =	sbarrier.arrive $0xFFFF  }
0x86: {  	p0 =	sne.s32 s0, $0x0;
	_ =	strace $0x90000047  }
0x87: {  	s0 =	sadd.s32 @!p0 $0x100000, s1;
	[bflag:$0x2] =	sbarrier.arrive $0xFFFF  }
0x88: {  	[sflag:s0] =	ssyncadd.tile.s32 @!p0 $0x1;
	_ =	shalt  }
.Lfunc_end2:
_tile_overlayer_lowered:
.L_overlay_start_2:
0x89: {  	(tag) =	ssettag $0x2  }
0x8a: {  	s0 =	rddreg [dreg:$0x0];
	s2 =	stileid.u32  }
0x8b: {  	s1 =	rddreg [dreg:$0x1];
	p0 =	sne.s32 s2, $0x0  }
0x8c: {  	s3 =	rddreg [dreg:$0x2];
	[bflag:$0x3] =	sbarrier.arrive $0xFFFF;
	s2 =	simm.s32 @!p0 $0x1C07  }
0x8d: {  	[timem:s3], [sflag:s2] =	dma.local @!p0 [hbm:s0], s1  }
0x8e: {  	s0 =	simm.s32 @!p0 $0x7  }
0x8f: {  	_ =	swait.ge @!p0 [sflag:s0], s1  }
0x90: {  	s1 =	ssub.s32 @!p0 $0x0, s1;
	[sflag:s0] =	ssyncset.done @!p0 $0x0  }
0x91: {  	[sflag:s0] =	ssyncadd.s32 @!p0 s1  }
0x92: {  	[bflag:$0x3] =	sbarrier.arrive $0xFFFF  }
0x93: {  	_ =	shalt  }

</sc_bundles>
